<compile_context>
chip_gen: v7x
topology: tpu7x:2x2x1
jax: 0.10.2.dev20260603
libtpu: 0.0.44.dev20260713+nightly
codegen_flags: <defaults>
</compile_context>

<pallas_src>
import functools

import jax
import jax.numpy as jnp
from jax import lax
from jax.experimental import pallas as pl
from jax.experimental.pallas import tpu as pltpu
from jax.experimental.pallas import tpu_sc as plsc

Q_BLK = 128
N_BLK = 4096
K = 16
DEPTH = 3
NUM_CLASSES = 100
C_PAD = 128
NC, NS = 2, 16
NW = NC * NS


def _knn_body(x_ref, w_ref, y_ref, qsq_ref, tsq_ref,
              m_ref, sp_ref, v2_ref, v3_ref, p2_ref, p3_ref,
              *scratch, n_total, n_blocks):
    vrefs = scratch[:DEPTH]
    prefs = scratch[DEPTH:]
    j = pl.program_id(1)

    @pl.when(j == 0)
    def _init():
        for vr, pr in zip(vrefs, prefs):
            vr[...] = jnp.full_like(vr, jnp.inf)
            pr[...] = jnp.zeros_like(pr)

    x = x_ref[...]
    w = w_ref[...]
    labels = y_ref[...]

    cross = jax.lax.dot_general(
        x, w, (((1,), (1,)), ((), ())),
        preferred_element_type=jnp.float32)
    key = qsq_ref[...] + tsq_ref[...] - 2.0 * cross

    qb, nb = key.shape
    lane = jax.lax.broadcasted_iota(jnp.int32, (1, nb), 1)
    valid = (j * N_BLK + lane) < n_total
    key = jnp.where(valid, key, jnp.inf)
    pack = jnp.broadcast_to((j * N_BLK + lane) * 128 + labels, key.shape)

    v = [r[...] for r in vrefs]
    p = [r[...] for r in prefs]
    ins = [key < vi for vi in v]
    vrefs[0][...] = jnp.minimum(key, v[0])
    prefs[0][...] = jnp.where(ins[0], pack, p[0])
    for s in range(1, DEPTH):
        vrefs[s][...] = jnp.minimum(jnp.maximum(key, v[s - 1]), v[s])
        prefs[s][...] = jnp.where(ins[s - 1], p[s - 1],
                                  jnp.where(ins[s], pack, p[s]))

    @pl.when(j == n_blocks - 1)
    def _finish():
        vals = jnp.sqrt(jnp.maximum(vrefs[0][...], 0.0))
        packs = prefs[0][...]
        v2_ref[...] = jnp.sqrt(jnp.maximum(vrefs[1][...], 0.0))
        v3_ref[...] = jnp.sqrt(jnp.maximum(vrefs[2][...], 0.0))
        p2_ref[...] = prefs[1][...]
        p3_ref[...] = prefs[2][...]
        big = jnp.int32(1 << 30)
        ms, sps = [], []
        for _ in range(K):
            m = jnp.min(vals, axis=1, keepdims=True)
            eq = vals == m
            sp = jnp.min(jnp.where(eq, packs, big), axis=1, keepdims=True)
            vals = jnp.where(eq & (packs == sp), jnp.inf, vals)
            ms.append(m)
            sps.append(sp)
        m_ref[...] = jnp.concatenate(ms, axis=1)
        sp_ref[...] = jnp.concatenate(sps, axis=1)


def _sc_body(m_hbm, sp_hbm, v2_hbm, v3_hbm, p2_hbm, p3_hbm, out_hbm,
             m_v, sp_v, gidx, v2g, p2g, v3g, p3g, outbuf, sem, *, qpw):
    wid = lax.axis_index("s") * NC + lax.axis_index("c")
    nk = qpw * K
    pltpu.sync_copy(m_hbm.at[pl.ds(wid * nk, nk)], m_v)
    pltpu.sync_copy(sp_hbm.at[pl.ds(wid * nk, nk)], sp_v)

    for q in range(qpw):
        spq = sp_v[pl.ds(q * K, K)]
        b = (spq >> 7) & (N_BLK - 1)
        gidx[pl.ds(q * K, K)] = (wid * qpw + q) * N_BLK + b

    handles = []
    for src, dst in ((v2_hbm, v2g), (p2_hbm, p2g),
                     (v3_hbm, v3g), (p3_hbm, p3g)):
        for c in range(nk // 128):
            s = pl.ds(c * 128, 128)
            handles.append(
                pltpu.async_copy(src.at[gidx.at[s]], dst.at[s], sem))
    for h in handles:
        h.wait()

    iota = lax.broadcasted_iota(jnp.int32, (K,), 0)
    inf = jnp.float32(jnp.inf)
    inv_k = jnp.float32(1.0 / K)

    def lex_min(a, b):
        va, pa = a
        vb, pb = b
        take_a = (va < vb) | ((va == vb) & (pa < pb))
        return (jnp.where(take_a, va, vb), jnp.where(take_a, pa, pb))

    def splat_min(v, p):
        for sh in (8, 4, 2, 1):
            idx = jnp.bitwise_xor(iota, sh)
            vp = v.at[idx].get(mode="promise_in_bounds")
            pp = p.at[idx].get(mode="promise_in_bounds")
            v, p = lex_min((v, p), (vp, pp))
        return v, p

    def qbody(q, _):
        s = pl.ds(q * K, K)
        carry = (m_v[s], v2g[s], v3g[s], sp_v[s], p2g[s], p3g[s]) + \
            tuple(jnp.zeros((K,), jnp.float32) for _ in range(C_PAD // K))

        def ibody(_, c):
            v0, v1, v2, p0, p1, p2 = c[:6]
            h = c[6:]
            vm, pm = lex_min(lex_min((v0, p0), (v1, p1)), (v2, p2))
            vm, pm = splat_min(vm, pm)
            lab = pm & 127
            v0 = jnp.where(p0 == pm, inf, v0)
            v1 = jnp.where(p1 == pm, inf, v1)
            v2 = jnp.where(p2 == pm, inf, v2)
            h = tuple(hr + jnp.where(iota + 16 * r == lab, 1.0, 0.0)
                      for r, hr in enumerate(h))
            return (v0, v1, v2, p0, p1, p2) + h

        carry = lax.fori_loop(0, K, ibody, carry)
        for r in range(C_PAD // K):
            outbuf[pl.ds(q * C_PAD + r * K, K)] = carry[6 + r] * inv_k
        return 0

    lax.fori_loop(0, qpw, qbody, 0)
    pltpu.sync_copy(outbuf, out_hbm.at[pl.ds(wid * qpw * C_PAD,
                                             qpw * C_PAD)])


@jax.jit
def kernel(inputs, X_train, y_train):
    q, d = inputs.shape
    n = X_train.shape[0]
    qb = min(Q_BLK, q)
    n_blocks = pl.cdiv(n, N_BLK)
    y2d = y_train.reshape(1, n)
    q_sq = jnp.sum(inputs * inputs, axis=1, keepdims=True)
    t_sq = jnp.sum(X_train * X_train, axis=1)[None, :]

    grid = (q // qb, n_blocks)
    shp = jax.ShapeDtypeStruct
    m, sp, v2, v3, p2, p3 = pl.pallas_call(
        functools.partial(_knn_body, n_total=n, n_blocks=n_blocks),
        grid=grid,
        in_specs=[
            pl.BlockSpec((qb, d), lambda i, j: (i, 0)),
            pl.BlockSpec((N_BLK, d), lambda i, j: (j, 0)),
            pl.BlockSpec((1, N_BLK), lambda i, j: (0, j)),
            pl.BlockSpec((qb, 1), lambda i, j: (i, 0)),
            pl.BlockSpec((1, N_BLK), lambda i, j: (0, j)),
        ],
        out_specs=[
            pl.BlockSpec((qb, K), lambda i, j: (i, 0)),
            pl.BlockSpec((qb, K), lambda i, j: (i, 0)),
            pl.BlockSpec((qb, N_BLK), lambda i, j: (i, 0)),
            pl.BlockSpec((qb, N_BLK), lambda i, j: (i, 0)),
            pl.BlockSpec((qb, N_BLK), lambda i, j: (i, 0)),
            pl.BlockSpec((qb, N_BLK), lambda i, j: (i, 0)),
        ],
        out_shape=[
            shp((q, K), jnp.float32), shp((q, K), jnp.int32),
            shp((q, N_BLK), jnp.float32), shp((q, N_BLK), jnp.float32),
            shp((q, N_BLK), jnp.int32), shp((q, N_BLK), jnp.int32),
        ],
        scratch_shapes=(
            [pltpu.VMEM((qb, N_BLK), jnp.float32) for _ in range(DEPTH)]
            + [pltpu.VMEM((qb, N_BLK), jnp.int32) for _ in range(DEPTH)]),
        compiler_params=pltpu.CompilerParams(
            dimension_semantics=("parallel", "arbitrary"),
        ),
    )(inputs, X_train, y2d, q_sq, t_sq)

    qpw = q // NW
    nk = qpw * K
    sc = pl.kernel(
        functools.partial(_sc_body, qpw=qpw),
        out_type=shp((q * C_PAD,), jnp.float32),
        mesh=plsc.VectorSubcoreMesh(core_axis_name="c",
                                    subcore_axis_name="s"),
        scratch_types=[
            pltpu.VMEM((nk,), jnp.float32),
            pltpu.VMEM((nk,), jnp.int32),
            pltpu.VMEM((nk,), jnp.int32),
            pltpu.VMEM((nk,), jnp.float32),
            pltpu.VMEM((nk,), jnp.int32),
            pltpu.VMEM((nk,), jnp.float32),
            pltpu.VMEM((nk,), jnp.int32),
            pltpu.VMEM((qpw * C_PAD,), jnp.float32),
            pltpu.SemaphoreType.DMA,
        ],
    )
    out = sc(m.reshape(-1), sp.reshape(-1), v2.reshape(-1), v3.reshape(-1),
             p2.reshape(-1), p3.reshape(-1))
    return out.reshape(q, C_PAD)[:, :NUM_CLASSES]

# --- scband reference (transcript-rebuilt; emitter-appended) ---
"""Pipeline reference for scband-knnclassifier-layer-71966472011989 (READ-ONLY COPY).

The authoritative reference and input builder live on the scoring server;
editing this copy changes nothing except your own understanding.
"""

import jax, jax.numpy as jnp
import numpy as np

Q = 1024
N_TRAIN = 100000
D = 128
K_NN = 16
NUM_CLASSES = 100


def setup_inputs(seed: int = 0) -> dict:
    key = jax.random.key(seed)
    k1, k2, k3 = jax.random.split(key, 3)
    inputs = jax.random.normal(k1, (Q, D), dtype=jnp.float32)
    X_train = jax.random.normal(k2, (N_TRAIN, D), dtype=jnp.float32)
    y_train = jax.random.randint(k3, (N_TRAIN,), 0, NUM_CLASSES, dtype=jnp.int32)
    return {"inputs": inputs, "X_train": X_train, "y_train": y_train}


def reference(inputs, X_train, y_train):
    # Euclidean distances between every test point and every train point.
    # Mathematically identical to sqrt(sum((X_train[None] - inputs[:, None])**2, -1))
    # but computed via the expanded quadratic form so the [Q, N, D] broadcast
    # intermediate is never materialized (it would be ~52 GB at these shapes).
    q_sq = jnp.sum(inputs * inputs, axis=1, keepdims=True)          # [Q, 1]
    t_sq = jnp.sum(X_train * X_train, axis=1)[None, :]              # [1, N]
    cross = inputs @ X_train.T                                      # [Q, N]
    sq_dist = jnp.maximum(q_sq + t_sq - 2.0 * cross, 0.0)
    distances = jnp.sqrt(sq_dist)                                   # [Q, N]

    # top_k of negated distances == k nearest neighbors
    _, knn_indices = jax.lax.top_k(-distances, K_NN)                # [Q, k]
    knn_labels = jnp.take(y_train, knn_indices, axis=0)             # [Q, k]
    y_hist = jnp.sum(jax.nn.one_hot(knn_labels, NUM_CLASSES, dtype=jnp.float32), axis=1)  # [Q, C]
    y_prob = y_hist / jnp.sum(y_hist, axis=-1, keepdims=True)
    return y_prob

if __name__ == "__main__":
    import jax
    _d = setup_inputs()
    print(jax.jit(kernel)(*tuple(_d.values())))

</pallas_src>

<mosaic_0001>
#map = affine_map<(d0, d1) -> (0)>
module attributes {stable_mosaic.version = 14 : i64} {
  func.func @_sc_body(%arg0: i32, %arg1: i32, %arg2: memref<16384xf32, #tpu.memory_space<hbm>>, %arg3: memref<16384xi32, #tpu.memory_space<hbm>>, %arg4: memref<4194304xf32, #tpu.memory_space<hbm>>, %arg5: memref<4194304xf32, #tpu.memory_space<hbm>>, %arg6: memref<4194304xi32, #tpu.memory_space<hbm>>, %arg7: memref<4194304xi32, #tpu.memory_space<hbm>>, %arg8: memref<131072xf32, #tpu.memory_space<hbm>>, %arg9: memref<512xf32, #tpu.memory_space<vmem>>, %arg10: memref<512xi32, #tpu.memory_space<vmem>>, %arg11: memref<512xi32, #tpu.memory_space<vmem>>, %arg12: memref<512xf32, #tpu.memory_space<vmem>>, %arg13: memref<512xi32, #tpu.memory_space<vmem>>, %arg14: memref<512xf32, #tpu.memory_space<vmem>>, %arg15: memref<512xi32, #tpu.memory_space<vmem>>, %arg16: memref<4096xf32, #tpu.memory_space<vmem>>, %arg17: memref<!tpu.dma_semaphore, #tpu.memory_space<semaphore_mem>>) attributes {dimension_semantics = [#tpu.dimension_semantics<core_parallel>, #tpu.dimension_semantics<subcore_parallel>], iteration_bounds = array<i64: 2, 16>, scalar_prefetch = 0 : i64, scratch_operands = 9 : i64, tpu.core_type = #tpu.core_type<sc_vector_subcore>, window_params = [{transform_indices = #map}, {transform_indices = #map}, {transform_indices = #map}, {transform_indices = #map}, {transform_indices = #map}, {transform_indices = #map}, {transform_indices = #map}]} {
    %mul3A = arith.constant 2 : i32
    %mul3A_0 = arith.muli %arg1, %mul3A : i32
    %add3A = arith.addi %mul3A_0, %arg0 : i32
    %mul3A_1 = arith.constant 512 : i32
    %mul3A_2 = arith.muli %add3A, %mul3A_1 : i32
    "tpu.region"() ({
      %run_scoped3A = tpu.sem_alloc : memref<!tpu.dma_semaphore, #tpu.memory_space<semaphore_mem>>
      %dma_start3A_875 = tpu.memref_slice %arg2[%mul3A_2] : memref<16384xf32, #tpu.memory_space<hbm>> -> memref<512xf32, #tpu.memory_space<hbm>>
      %dma_start3A_876 = tpu.memref_slice %arg2[%mul3A_2] : memref<16384xf32, #tpu.memory_space<hbm>> -> memref<512xf32, #tpu.memory_space<hbm>>
      tpu.enqueue_dma source(%dma_start3A_876 : memref<512xf32, #tpu.memory_space<hbm>>) target(%arg9 : memref<512xf32, #tpu.memory_space<vmem>>) target_semaphore(%run_scoped3A : memref<!tpu.dma_semaphore, #tpu.memory_space<semaphore_mem>>)
      %dma_wait3A_877 = tpu.memref_slice %arg2[%mul3A_2] : memref<16384xf32, #tpu.memory_space<hbm>> -> memref<512xf32, #tpu.memory_space<hbm>>
      %dma_wait3A_878 = tpu.memref_slice %arg2[%mul3A_2] : memref<16384xf32, #tpu.memory_space<hbm>> -> memref<512xf32, #tpu.memory_space<hbm>>
      tpu.wait_dma2 semaphore(%run_scoped3A : memref<!tpu.dma_semaphore, #tpu.memory_space<semaphore_mem>>) src(%dma_wait3A_878 : memref<512xf32, #tpu.memory_space<hbm>>) dst(%arg9 : memref<512xf32, #tpu.memory_space<vmem>>)
      tpu.yield
    }) : () -> ()
    %mul3A_3 = arith.constant 512 : i32
    %mul3A_4 = arith.muli %add3A, %mul3A_3 : i32
    "tpu.region"() ({
      %run_scoped3A = tpu.sem_alloc : memref<!tpu.dma_semaphore, #tpu.memory_space<semaphore_mem>>
      %dma_start3A_875 = tpu.memref_slice %arg3[%mul3A_4] : memref<16384xi32, #tpu.memory_space<hbm>> -> memref<512xi32, #tpu.memory_space<hbm>>
      %dma_start3A_876 = tpu.memref_slice %arg3[%mul3A_4] : memref<16384xi32, #tpu.memory_space<hbm>> -> memref<512xi32, #tpu.memory_space<hbm>>
      tpu.enqueue_dma source(%dma_start3A_876 : memref<512xi32, #tpu.memory_space<hbm>>) target(%arg10 : memref<512xi32, #tpu.memory_space<vmem>>) target_semaphore(%run_scoped3A : memref<!tpu.dma_semaphore, #tpu.memory_space<semaphore_mem>>)
      %dma_wait3A_877 = tpu.memref_slice %arg3[%mul3A_4] : memref<16384xi32, #tpu.memory_space<hbm>> -> memref<512xi32, #tpu.memory_space<hbm>>
      %dma_wait3A_878 = tpu.memref_slice %arg3[%mul3A_4] : memref<16384xi32, #tpu.memory_space<hbm>> -> memref<512xi32, #tpu.memory_space<hbm>>
      tpu.wait_dma2 semaphore(%run_scoped3A : memref<!tpu.dma_semaphore, #tpu.memory_space<semaphore_mem>>) src(%dma_wait3A_878 : memref<512xi32, #tpu.memory_space<hbm>>) dst(%arg10 : memref<512xi32, #tpu.memory_space<vmem>>)
      tpu.yield
    }) : () -> ()
    %get3A = arith.constant 0 : index
    %get3A_5 = tpu.vector_load %arg10[%get3A] {strides = array<i32>} : memref<512xi32, #tpu.memory_space<vmem>>, vector<16xi32>,
    %get3A_6 = vector.shape_cast %get3A_5 : vector<16xi32> to vector<16xi32>
    %shift_right_arithmetic3A = arith.constant 7 : i32
    %shift_right_arithmetic3A_7 = vector.broadcast %shift_right_arithmetic3A : i32 to vector<16xi32>
    %shift_right_arithmetic3A_8 = arith.shrsi %get3A_6, %shift_right_arithmetic3A_7 : vector<16xi32>
    %and3A = arith.constant 4095 : i32
    %and3A_9 = vector.broadcast %and3A : i32 to vector<16xi32>
    %and3A_10 = arith.andi %shift_right_arithmetic3A_8, %and3A_9 : vector<16xi32>
    %mul3A_11 = arith.constant 32 : i32
    %mul3A_12 = arith.muli %add3A, %mul3A_11 : i32
    %add3A_13 = arith.constant 0 : i32
    %add3A_14 = arith.addi %mul3A_12, %add3A_13 : i32
    %mul3A_15 = arith.constant 4096 : i32
    %mul3A_16 = arith.muli %add3A_14, %mul3A_15 : i32
    %add3A_17 = vector.broadcast %mul3A_16 : i32 to vector<16xi32>
    %add3A_18 = arith.addi %add3A_17, %and3A_10 : vector<16xi32>
    %swap3A = arith.constant 0 : index
    %swap3A_19 = tpu.vector_load %arg11[%swap3A] {strides = array<i32>} : memref<512xi32, #tpu.memory_space<vmem>>, vector<16xi32>,
    %swap3A_20 = vector.shape_cast %swap3A_19 : vector<16xi32> to vector<16xi32>
    %swap3A_21 = vector.shape_cast %add3A_18 : vector<16xi32> to vector<16xi32>
    tpu.vector_store %arg11[%swap3A], %swap3A_21 {strides = array<i32>} : memref<512xi32, #tpu.memory_space<vmem>>, vector<16xi32>,
    %get3A_22 = arith.constant 16 : index
    %get3A_23 = tpu.vector_load %arg10[%get3A_22] {strides = array<i32>} : memref<512xi32, #tpu.memory_space<vmem>>, vector<16xi32>,
    %get3A_24 = vector.shape_cast %get3A_23 : vector<16xi32> to vector<16xi32>
    %shift_right_arithmetic3A_25 = arith.constant 7 : i32
    %shift_right_arithmetic3A_26 = vector.broadcast %shift_right_arithmetic3A_25 : i32 to vector<16xi32>
    %shift_right_arithmetic3A_27 = arith.shrsi %get3A_24, %shift_right_arithmetic3A_26 : vector<16xi32>
    %and3A_28 = arith.constant 4095 : i32
    %and3A_29 = vector.broadcast %and3A_28 : i32 to vector<16xi32>
    %and3A_30 = arith.andi %shift_right_arithmetic3A_27, %and3A_29 : vector<16xi32>
    %mul3A_31 = arith.constant 32 : i32
    %mul3A_32 = arith.muli %add3A, %mul3A_31 : i32
    %add3A_33 = arith.constant 1 : i32
    %add3A_34 = arith.addi %mul3A_32, %add3A_33 : i32
    %mul3A_35 = arith.constant 4096 : i32
    %mul3A_36 = arith.muli %add3A_34, %mul3A_35 : i32
    %add3A_37 = vector.broadcast %mul3A_36 : i32 to vector<16xi32>
    %add3A_38 = arith.addi %add3A_37, %and3A_30 : vector<16xi32>
    %swap3A_39 = arith.constant 16 : index
    %swap3A_40 = tpu.vector_load %arg11[%swap3A_39] {strides = array<i32>} : memref<512xi32, #tpu.memory_space<vmem>>, vector<16xi32>,
    %swap3A_41 = vector.shape_cast %swap3A_40 : vector<16xi32> to vector<16xi32>
    %swap3A_42 = vector.shape_cast %add3A_38 : vector<16xi32> to vector<16xi32>
    tpu.vector_store %arg11[%swap3A_39], %swap3A_42 {strides = array<i32>} : memref<512xi32, #tpu.memory_space<vmem>>, vector<16xi32>,
    %get3A_43 = arith.constant 32 : index
    %get3A_44 = tpu.vector_load %arg10[%get3A_43] {strides = array<i32>} : memref<512xi32, #tpu.memory_space<vmem>>, vector<16xi32>,
    %get3A_45 = vector.shape_cast %get3A_44 : vector<16xi32> to vector<16xi32>
    %shift_right_arithmetic3A_46 = arith.constant 7 : i32
    %shift_right_arithmetic3A_47 = vector.broadcast %shift_right_arithmetic3A_46 : i32 to vector<16xi32>
    %shift_right_arithmetic3A_48 = arith.shrsi %get3A_45, %shift_right_arithmetic3A_47 : vector<16xi32>
    %and3A_49 = arith.constant 4095 : i32
    %and3A_50 = vector.broadcast %and3A_49 : i32 to vector<16xi32>
    %and3A_51 = arith.andi %shift_right_arithmetic3A_48, %and3A_50 : vector<16xi32>
    %mul3A_52 = arith.constant 32 : i32
    %mul3A_53 = arith.muli %add3A, %mul3A_52 : i32
    %add3A_54 = arith.constant 2 : i32
    %add3A_55 = arith.addi %mul3A_53, %add3A_54 : i32
    %mul3A_56 = arith.constant 4096 : i32
    %mul3A_57 = arith.muli %add3A_55, %mul3A_56 : i32
    %add3A_58 = vector.broadcast %mul3A_57 : i32 to vector<16xi32>
    %add3A_59 = arith.addi %add3A_58, %and3A_51 : vector<16xi32>
    %swap3A_60 = arith.constant 32 : index
    %swap3A_61 = tpu.vector_load %arg11[%swap3A_60] {strides = array<i32>} : memref<512xi32, #tpu.memory_space<vmem>>, vector<16xi32>,
    %swap3A_62 = vector.shape_cast %swap3A_61 : vector<16xi32> to vector<16xi32>
    %swap3A_63 = vector.shape_cast %add3A_59 : vector<16xi32> to vector<16xi32>
    tpu.vector_store %arg11[%swap3A_60], %swap3A_63 {strides = array<i32>} : memref<512xi32, #tpu.memory_space<vmem>>, vector<16xi32>,
    %get3A_64 = arith.constant 48 : index
    %get3A_65 = tpu.vector_load %arg10[%get3A_64] {strides = array<i32>} : memref<512xi32, #tpu.memory_space<vmem>>, vector<16xi32>,
    %get3A_66 = vector.shape_cast %get3A_65 : vector<16xi32> to vector<16xi32>
    %shift_right_arithmetic3A_67 = arith.constant 7 : i32
    %shift_right_arithmetic3A_68 = vector.broadcast %shift_right_arithmetic3A_67 : i32 to vector<16xi32>
    %shift_right_arithmetic3A_69 = arith.shrsi %get3A_66, %shift_right_arithmetic3A_68 : vector<16xi32>
    %and3A_70 = arith.constant 4095 : i32
    %and3A_71 = vector.broadcast %and3A_70 : i32 to vector<16xi32>
    %and3A_72 = arith.andi %shift_right_arithmetic3A_69, %and3A_71 : vector<16xi32>
    %mul3A_73 = arith.constant 32 : i32
    %mul3A_74 = arith.muli %add3A, %mul3A_73 : i32
    %add3A_75 = arith.constant 3 : i32
    %add3A_76 = arith.addi %mul3A_74, %add3A_75 : i32
    %mul3A_77 = arith.constant 4096 : i32
    %mul3A_78 = arith.muli %add3A_76, %mul3A_77 : i32
    %add3A_79 = vector.broadcast %mul3A_78 : i32 to vector<16xi32>
    %add3A_80 = arith.addi %add3A_79, %and3A_72 : vector<16xi32>
    %swap3A_81 = arith.constant 48 : index
    %swap3A_82 = tpu.vector_load %arg11[%swap3A_81] {strides = array<i32>} : memref<512xi32, #tpu.memory_space<vmem>>, vector<16xi32>,
    %swap3A_83 = vector.shape_cast %swap3A_82 : vector<16xi32> to vector<16xi32>
    %swap3A_84 = vector.shape_cast %add3A_80 : vector<16xi32> to vector<16xi32>
    tpu.vector_store %arg11[%swap3A_81], %swap3A_84 {strides = array<i32>} : memref<512xi32, #tpu.memory_space<vmem>>, vector<16xi32>,
    %get3A_85 = arith.constant 64 : index
    %get3A_86 = tpu.vector_load %arg10[%get3A_85] {strides = array<i32>} : memref<512xi32, #tpu.memory_space<vmem>>, vector<16xi32>,
    %get3A_87 = vector.shape_cast %get3A_86 : vector<16xi32> to vector<16xi32>
    %shift_right_arithmetic3A_88 = arith.constant 7 : i32
    %shift_right_arithmetic3A_89 = vector.broadcast %shift_right_arithmetic3A_88 : i32 to vector<16xi32>
    %shift_right_arithmetic3A_90 = arith.shrsi %get3A_87, %shift_right_arithmetic3A_89 : vector<16xi32>
    %and3A_91 = arith.constant 4095 : i32
    %and3A_92 = vector.broadcast %and3A_91 : i32 to vector<16xi32>
    %and3A_93 = arith.andi %shift_right_arithmetic3A_90, %and3A_92 : vector<16xi32>
    %mul3A_94 = arith.constant 32 : i32
    %mul3A_95 = arith.muli %add3A, %mul3A_94 : i32
    %add3A_96 = arith.constant 4 : i32
    %add3A_97 = arith.addi %mul3A_95, %add3A_96 : i32
    %mul3A_98 = arith.constant 4096 : i32
    %mul3A_99 = arith.muli %add3A_97, %mul3A_98 : i32
    %add3A_100 = vector.broadcast %mul3A_99 : i32 to vector<16xi32>
    %add3A_101 = arith.addi %add3A_100, %and3A_93 : vector<16xi32>
    %swap3A_102 = arith.constant 64 : index
    %swap3A_103 = tpu.vector_load %arg11[%swap3A_102] {strides = array<i32>} : memref<512xi32, #tpu.memory_space<vmem>>, vector<16xi32>,
    %swap3A_104 = vector.shape_cast %swap3A_103 : vector<16xi32> to vector<16xi32>
    %swap3A_105 = vector.shape_cast %add3A_101 : vector<16xi32> to vector<16xi32>
    tpu.vector_store %arg11[%swap3A_102], %swap3A_105 {strides = array<i32>} : memref<512xi32, #tpu.memory_space<vmem>>, vector<16xi32>,
    %get3A_106 = arith.constant 80 : index
    %get3A_107 = tpu.vector_load %arg10[%get3A_106] {strides = array<i32>} : memref<512xi32, #tpu.memory_space<vmem>>, vector<16xi32>,
    %get3A_108 = vector.shape_cast %get3A_107 : vector<16xi32> to vector<16xi32>
    %shift_right_arithmetic3A_109 = arith.constant 7 : i32
    %shift_right_arithmetic3A_110 = vector.broadcast %shift_right_arithmetic3A_109 : i32 to vector<16xi32>
    %shift_right_arithmetic3A_111 = arith.shrsi %get3A_108, %shift_right_arithmetic3A_110 : vector<16xi32>
    %and3A_112 = arith.constant 4095 : i32
    %and3A_113 = vector.broadcast %and3A_112 : i32 to vector<16xi32>
    %and3A_114 = arith.andi %shift_right_arithmetic3A_111, %and3A_113 : vector<16xi32>
    %mul3A_115 = arith.constant 32 : i32
    %mul3A_116 = arith.muli %add3A, %mul3A_115 : i32
    %add3A_117 = arith.constant 5 : i32
    %add3A_118 = arith.addi %mul3A_116, %add3A_117 : i32
    %mul3A_119 = arith.constant 4096 : i32
    %mul3A_120 = arith.muli %add3A_118, %mul3A_119 : i32
    %add3A_121 = vector.broadcast %mul3A_120 : i32 to vector<16xi32>
    %add3A_122 = arith.addi %add3A_121, %and3A_114 : vector<16xi32>
    %swap3A_123 = arith.constant 80 : index
    %swap3A_124 = tpu.vector_load %arg11[%swap3A_123] {strides = array<i32>} : memref<512xi32, #tpu.memory_space<vmem>>, vector<16xi32>,
    %swap3A_125 = vector.shape_cast %swap3A_124 : vector<16xi32> to vector<16xi32>
    %swap3A_126 = vector.shape_cast %add3A_122 : vector<16xi32> to vector<16xi32>
    tpu.vector_store %arg11[%swap3A_123], %swap3A_126 {strides = array<i32>} : memref<512xi32, #tpu.memory_space<vmem>>, vector<16xi32>,
    %get3A_127 = arith.constant 96 : index
    %get3A_128 = tpu.vector_load %arg10[%get3A_127] {strides = array<i32>} : memref<512xi32, #tpu.memory_space<vmem>>, vector<16xi32>,
    %get3A_129 = vector.shape_cast %get3A_128 : vector<16xi32> to vector<16xi32>
    %shift_right_arithmetic3A_130 = arith.constant 7 : i32
    %shift_right_arithmetic3A_131 = vector.broadcast %shift_right_arithmetic3A_130 : i32 to vector<16xi32>
    %shift_right_arithmetic3A_132 = arith.shrsi %get3A_129, %shift_right_arithmetic3A_131 : vector<16xi32>
    %and3A_133 = arith.constant 4095 : i32
    %and3A_134 = vector.broadcast %and3A_133 : i32 to vector<16xi32>
    %and3A_135 = arith.andi %shift_right_arithmetic3A_132, %and3A_134 : vector<16xi32>
    %mul3A_136 = arith.constant 32 : i32
    %mul3A_137 = arith.muli %add3A, %mul3A_136 : i32
    %add3A_138 = arith.constant 6 : i32
    %add3A_139 = arith.addi %mul3A_137, %add3A_138 : i32
    %mul3A_140 = arith.constant 4096 : i32
    %mul3A_141 = arith.muli %add3A_139, %mul3A_140 : i32
    %add3A_142 = vector.broadcast %mul3A_141 : i32 to vector<16xi32>
    %add3A_143 = arith.addi %add3A_142, %and3A_135 : vector<16xi32>
    %swap3A_144 = arith.constant 96 : index
    %swap3A_145 = tpu.vector_load %arg11[%swap3A_144] {strides = array<i32>} : memref<512xi32, #tpu.memory_space<vmem>>, vector<16xi32>,
    %swap3A_146 = vector.shape_cast %swap3A_145 : vector<16xi32> to vector<16xi32>
    %swap3A_147 = vector.shape_cast %add3A_143 : vector<16xi32> to vector<16xi32>
    tpu.vector_store %arg11[%swap3A_144], %swap3A_147 {strides = array<i32>} : memref<512xi32, #tpu.memory_space<vmem>>, vector<16xi32>,
    %get3A_148 = arith.constant 112 : index
    %get3A_149 = tpu.vector_load %arg10[%get3A_148] {strides = array<i32>} : memref<512xi32, #tpu.memory_space<vmem>>, vector<16xi32>,
    %get3A_150 = vector.shape_cast %get3A_149 : vector<16xi32> to vector<16xi32>
    %shift_right_arithmetic3A_151 = arith.constant 7 : i32
    %shift_right_arithmetic3A_152 = vector.broadcast %shift_right_arithmetic3A_151 : i32 to vector<16xi32>
    %shift_right_arithmetic3A_153 = arith.shrsi %get3A_150, %shift_right_arithmetic3A_152 : vector<16xi32>
    %and3A_154 = arith.constant 4095 : i32
    %and3A_155 = vector.broadcast %and3A_154 : i32 to vector<16xi32>
    %and3A_156 = arith.andi %shift_right_arithmetic3A_153, %and3A_155 : vector<16xi32>
    %mul3A_157 = arith.constant 32 : i32
    %mul3A_158 = arith.muli %add3A, %mul3A_157 : i32
    %add3A_159 = arith.constant 7 : i32
    %add3A_160 = arith.addi %mul3A_158, %add3A_159 : i32
    %mul3A_161 = arith.constant 4096 : i32
    %mul3A_162 = arith.muli %add3A_160, %mul3A_161 : i32
    %add3A_163 = vector.broadcast %mul3A_162 : i32 to vector<16xi32>
    %add3A_164 = arith.addi %add3A_163, %and3A_156 : vector<16xi32>
    %swap3A_165 = arith.constant 112 : index
    %swap3A_166 = tpu.vector_load %arg11[%swap3A_165] {strides = array<i32>} : memref<512xi32, #tpu.memory_space<vmem>>, vector<16xi32>,
    %swap3A_167 = vector.shape_cast %swap3A_166 : vector<16xi32> to vector<16xi32>
    %swap3A_168 = vector.shape_cast %add3A_164 : vector<16xi32> to vector<16xi32>
    tpu.vector_store %arg11[%swap3A_165], %swap3A_168 {strides = array<i32>} : memref<512xi32, #tpu.memory_space<vmem>>, vector<16xi32>,
    %get3A_169 = arith.constant 128 : index
    %get3A_170 = tpu.vector_load %arg10[%get3A_169] {strides = array<i32>} : memref<512xi32, #tpu.memory_space<vmem>>, vector<16xi32>,
    %get3A_171 = vector.shape_cast %get3A_170 : vector<16xi32> to vector<16xi32>
    %shift_right_arithmetic3A_172 = arith.constant 7 : i32
    %shift_right_arithmetic3A_173 = vector.broadcast %shift_right_arithmetic3A_172 : i32 to vector<16xi32>
    %shift_right_arithmetic3A_174 = arith.shrsi %get3A_171, %shift_right_arithmetic3A_173 : vector<16xi32>
    %and3A_175 = arith.constant 4095 : i32
    %and3A_176 = vector.broadcast %and3A_175 : i32 to vector<16xi32>
    %and3A_177 = arith.andi %shift_right_arithmetic3A_174, %and3A_176 : vector<16xi32>
    %mul3A_178 = arith.constant 32 : i32
    %mul3A_179 = arith.muli %add3A, %mul3A_178 : i32
    %add3A_180 = arith.constant 8 : i32
    %add3A_181 = arith.addi %mul3A_179, %add3A_180 : i32
    %mul3A_182 = arith.constant 4096 : i32
    %mul3A_183 = arith.muli %add3A_181, %mul3A_182 : i32
    %add3A_184 = vector.broadcast %mul3A_183 : i32 to vector<16xi32>
    %add3A_185 = arith.addi %add3A_184, %and3A_177 : vector<16xi32>
    %swap3A_186 = arith.constant 128 : index
    %swap3A_187 = tpu.vector_load %arg11[%swap3A_186] {strides = array<i32>} : memref<512xi32, #tpu.memory_space<vmem>>, vector<16xi32>,
    %swap3A_188 = vector.shape_cast %swap3A_187 : vector<16xi32> to vector<16xi32>
    %swap3A_189 = vector.shape_cast %add3A_185 : vector<16xi32> to vector<16xi32>
    tpu.vector_store %arg11[%swap3A_186], %swap3A_189 {strides = array<i32>} : memref<512xi32, #tpu.memory_space<vmem>>, vector<16xi32>,
    %get3A_190 = arith.constant 144 : index
    %get3A_191 = tpu.vector_load %arg10[%get3A_190] {strides = array<i32>} : memref<512xi32, #tpu.memory_space<vmem>>, vector<16xi32>,
    %get3A_192 = vector.shape_cast %get3A_191 : vector<16xi32> to vector<16xi32>
    %shift_right_arithmetic3A_193 = arith.constant 7 : i32
    %shift_right_arithmetic3A_194 = vector.broadcast %shift_right_arithmetic3A_193 : i32 to vector<16xi32>
    %shift_right_arithmetic3A_195 = arith.shrsi %get3A_192, %shift_right_arithmetic3A_194 : vector<16xi32>
    %and3A_196 = arith.constant 4095 : i32
    %and3A_197 = vector.broadcast %and3A_196 : i32 to vector<16xi32>
    %and3A_198 = arith.andi %shift_right_arithmetic3A_195, %and3A_197 : vector<16xi32>
    %mul3A_199 = arith.constant 32 : i32
    %mul3A_200 = arith.muli %add3A, %mul3A_199 : i32
    %add3A_201 = arith.constant 9 : i32
    %add3A_202 = arith.addi %mul3A_200, %add3A_201 : i32
    %mul3A_203 = arith.constant 4096 : i32
    %mul3A_204 = arith.muli %add3A_202, %mul3A_203 : i32
    %add3A_205 = vector.broadcast %mul3A_204 : i32 to vector<16xi32>
    %add3A_206 = arith.addi %add3A_205, %and3A_198 : vector<16xi32>
    %swap3A_207 = arith.constant 144 : index
    %swap3A_208 = tpu.vector_load %arg11[%swap3A_207] {strides = array<i32>} : memref<512xi32, #tpu.memory_space<vmem>>, vector<16xi32>,
    %swap3A_209 = vector.shape_cast %swap3A_208 : vector<16xi32> to vector<16xi32>
    %swap3A_210 = vector.shape_cast %add3A_206 : vector<16xi32> to vector<16xi32>
    tpu.vector_store %arg11[%swap3A_207], %swap3A_210 {strides = array<i32>} : memref<512xi32, #tpu.memory_space<vmem>>, vector<16xi32>,
    %get3A_211 = arith.constant 160 : index
    %get3A_212 = tpu.vector_load %arg10[%get3A_211] {strides = array<i32>} : memref<512xi32, #tpu.memory_space<vmem>>, vector<16xi32>,
    %get3A_213 = vector.shape_cast %get3A_212 : vector<16xi32> to vector<16xi32>
    %shift_right_arithmetic3A_214 = arith.constant 7 : i32
    %shift_right_arithmetic3A_215 = vector.broadcast %shift_right_arithmetic3A_214 : i32 to vector<16xi32>
    %shift_right_arithmetic3A_216 = arith.shrsi %get3A_213, %shift_right_arithmetic3A_215 : vector<16xi32>
    %and3A_217 = arith.constant 4095 : i32
    %and3A_218 = vector.broadcast %and3A_217 : i32 to vector<16xi32>
    %and3A_219 = arith.andi %shift_right_arithmetic3A_216, %and3A_218 : vector<16xi32>
    %mul3A_220 = arith.constant 32 : i32
    %mul3A_221 = arith.muli %add3A, %mul3A_220 : i32
    %add3A_222 = arith.constant 10 : i32
    %add3A_223 = arith.addi %mul3A_221, %add3A_222 : i32
    %mul3A_224 = arith.constant 4096 : i32
    %mul3A_225 = arith.muli %add3A_223, %mul3A_224 : i32
    %add3A_226 = vector.broadcast %mul3A_225 : i32 to vector<16xi32>
    %add3A_227 = arith.addi %add3A_226, %and3A_219 : vector<16xi32>
    %swap3A_228 = arith.constant 160 : index
    %swap3A_229 = tpu.vector_load %arg11[%swap3A_228] {strides = array<i32>} : memref<512xi32, #tpu.memory_space<vmem>>, vector<16xi32>,
    %swap3A_230 = vector.shape_cast %swap3A_229 : vector<16xi32> to vector<16xi32>
    %swap3A_231 = vector.shape_cast %add3A_227 : vector<16xi32> to vector<16xi32>
    tpu.vector_store %arg11[%swap3A_228], %swap3A_231 {strides = array<i32>} : memref<512xi32, #tpu.memory_space<vmem>>, vector<16xi32>,
    %get3A_232 = arith.constant 176 : index
    %get3A_233 = tpu.vector_load %arg10[%get3A_232] {strides = array<i32>} : memref<512xi32, #tpu.memory_space<vmem>>, vector<16xi32>,
    %get3A_234 = vector.shape_cast %get3A_233 : vector<16xi32> to vector<16xi32>
    %shift_right_arithmetic3A_235 = arith.constant 7 : i32
    %shift_right_arithmetic3A_236 = vector.broadcast %shift_right_arithmetic3A_235 : i32 to vector<16xi32>
    %shift_right_arithmetic3A_237 = arith.shrsi %get3A_234, %shift_right_arithmetic3A_236 : vector<16xi32>
    %and3A_238 = arith.constant 4095 : i32
    %and3A_239 = vector.broadcast %and3A_238 : i32 to vector<16xi32>
    %and3A_240 = arith.andi %shift_right_arithmetic3A_237, %and3A_239 : vector<16xi32>
    %mul3A_241 = arith.constant 32 : i32
    %mul3A_242 = arith.muli %add3A, %mul3A_241 : i32
    %add3A_243 = arith.constant 11 : i32
    %add3A_244 = arith.addi %mul3A_242, %add3A_243 : i32
    %mul3A_245 = arith.constant 4096 : i32
    %mul3A_246 = arith.muli %add3A_244, %mul3A_245 : i32
    %add3A_247 = vector.broadcast %mul3A_246 : i32 to vector<16xi32>
    %add3A_248 = arith.addi %add3A_247, %and3A_240 : vector<16xi32>
    %swap3A_249 = arith.constant 176 : index
    %swap3A_250 = tpu.vector_load %arg11[%swap3A_249] {strides = array<i32>} : memref<512xi32, #tpu.memory_space<vmem>>, vector<16xi32>,
    %swap3A_251 = vector.shape_cast %swap3A_250 : vector<16xi32> to vector<16xi32>
    %swap3A_252 = vector.shape_cast %add3A_248 : vector<16xi32> to vector<16xi32>
    tpu.vector_store %arg11[%swap3A_249], %swap3A_252 {strides = array<i32>} : memref<512xi32, #tpu.memory_space<vmem>>, vector<16xi32>,
    %get3A_253 = arith.constant 192 : index
    %get3A_254 = tpu.vector_load %arg10[%get3A_253] {strides = array<i32>} : memref<512xi32, #tpu.memory_space<vmem>>, vector<16xi32>,
    %get3A_255 = vector.shape_cast %get3A_254 : vector<16xi32> to vector<16xi32>
    %shift_right_arithmetic3A_256 = arith.constant 7 : i32
    %shift_right_arithmetic3A_257 = vector.broadcast %shift_right_arithmetic3A_256 : i32 to vector<16xi32>
    %shift_right_arithmetic3A_258 = arith.shrsi %get3A_255, %shift_right_arithmetic3A_257 : vector<16xi32>
    %and3A_259 = arith.constant 4095 : i32
    %and3A_260 = vector.broadcast %and3A_259 : i32 to vector<16xi32>
    %and3A_261 = arith.andi %shift_right_arithmetic3A_258, %and3A_260 : vector<16xi32>
    %mul3A_262 = arith.constant 32 : i32
    %mul3A_263 = arith.muli %add3A, %mul3A_262 : i32
    %add3A_264 = arith.constant 12 : i32
    %add3A_265 = arith.addi %mul3A_263, %add3A_264 : i32
    %mul3A_266 = arith.constant 4096 : i32
    %mul3A_267 = arith.muli %add3A_265, %mul3A_266 : i32
    %add3A_268 = vector.broadcast %mul3A_267 : i32 to vector<16xi32>
    %add3A_269 = arith.addi %add3A_268, %and3A_261 : vector<16xi32>
    %swap3A_270 = arith.constant 192 : index
    %swap3A_271 = tpu.vector_load %arg11[%swap3A_270] {strides = array<i32>} : memref<512xi32, #tpu.memory_space<vmem>>, vector<16xi32>,
    %swap3A_272 = vector.shape_cast %swap3A_271 : vector<16xi32> to vector<16xi32>
    %swap3A_273 = vector.shape_cast %add3A_269 : vector<16xi32> to vector<16xi32>
    tpu.vector_store %arg11[%swap3A_270], %swap3A_273 {strides = array<i32>} : memref<512xi32, #tpu.memory_space<vmem>>, vector<16xi32>,
    %get3A_274 = arith.constant 208 : index
    %get3A_275 = tpu.vector_load %arg10[%get3A_274] {strides = array<i32>} : memref<512xi32, #tpu.memory_space<vmem>>, vector<16xi32>,
    %get3A_276 = vector.shape_cast %get3A_275 : vector<16xi32> to vector<16xi32>
    %shift_right_arithmetic3A_277 = arith.constant 7 : i32
    %shift_right_arithmetic3A_278 = vector.broadcast %shift_right_arithmetic3A_277 : i32 to vector<16xi32>
    %shift_right_arithmetic3A_279 = arith.shrsi %get3A_276, %shift_right_arithmetic3A_278 : vector<16xi32>
    %and3A_280 = arith.constant 4095 : i32
    %and3A_281 = vector.broadcast %and3A_280 : i32 to vector<16xi32>
    %and3A_282 = arith.andi %shift_right_arithmetic3A_279, %and3A_281 : vector<16xi32>
    %mul3A_283 = arith.constant 32 : i32
    %mul3A_284 = arith.muli %add3A, %mul3A_283 : i32
    %add3A_285 = arith.constant 13 : i32
    %add3A_286 = arith.addi %mul3A_284, %add3A_285 : i32
    %mul3A_287 = arith.constant 4096 : i32
    %mul3A_288 = arith.muli %add3A_286, %mul3A_287 : i32
    %add3A_289 = vector.broadcast %mul3A_288 : i32 to vector<16xi32>
    %add3A_290 = arith.addi %add3A_289, %and3A_282 : vector<16xi32>
    %swap3A_291 = arith.constant 208 : index
    %swap3A_292 = tpu.vector_load %arg11[%swap3A_291] {strides = array<i32>} : memref<512xi32, #tpu.memory_space<vmem>>, vector<16xi32>,
    %swap3A_293 = vector.shape_cast %swap3A_292 : vector<16xi32> to vector<16xi32>
    %swap3A_294 = vector.shape_cast %add3A_290 : vector<16xi32> to vector<16xi32>
    tpu.vector_store %arg11[%swap3A_291], %swap3A_294 {strides = array<i32>} : memref<512xi32, #tpu.memory_space<vmem>>, vector<16xi32>,
    %get3A_295 = arith.constant 224 : index
    %get3A_296 = tpu.vector_load %arg10[%get3A_295] {strides = array<i32>} : memref<512xi32, #tpu.memory_space<vmem>>, vector<16xi32>,
    %get3A_297 = vector.shape_cast %get3A_296 : vector<16xi32> to vector<16xi32>
    %shift_right_arithmetic3A_298 = arith.constant 7 : i32
    %shift_right_arithmetic3A_299 = vector.broadcast %shift_right_arithmetic3A_298 : i32 to vector<16xi32>
    %shift_right_arithmetic3A_300 = arith.shrsi %get3A_297, %shift_right_arithmetic3A_299 : vector<16xi32>
    %and3A_301 = arith.constant 4095 : i32
    %and3A_302 = vector.broadcast %and3A_301 : i32 to vector<16xi32>
    %and3A_303 = arith.andi %shift_right_arithmetic3A_300, %and3A_302 : vector<16xi32>
    %mul3A_304 = arith.constant 32 : i32
    %mul3A_305 = arith.muli %add3A, %mul3A_304 : i32
    %add3A_306 = arith.constant 14 : i32
    %add3A_307 = arith.addi %mul3A_305, %add3A_306 : i32
    %mul3A_308 = arith.constant 4096 : i32
    %mul3A_309 = arith.muli %add3A_307, %mul3A_308 : i32
    %add3A_310 = vector.broadcast %mul3A_309 : i32 to vector<16xi32>
    %add3A_311 = arith.addi %add3A_310, %and3A_303 : vector<16xi32>
    %swap3A_312 = arith.constant 224 : index
    %swap3A_313 = tpu.vector_load %arg11[%swap3A_312] {strides = array<i32>} : memref<512xi32, #tpu.memory_space<vmem>>, vector<16xi32>,
    %swap3A_314 = vector.shape_cast %swap3A_313 : vector<16xi32> to vector<16xi32>
    %swap3A_315 = vector.shape_cast %add3A_311 : vector<16xi32> to vector<16xi32>
    tpu.vector_store %arg11[%swap3A_312], %swap3A_315 {strides = array<i32>} : memref<512xi32, #tpu.memory_space<vmem>>, vector<16xi32>,
    %get3A_316 = arith.constant 240 : index
    %get3A_317 = tpu.vector_load %arg10[%get3A_316] {strides = array<i32>} : memref<512xi32, #tpu.memory_space<vmem>>, vector<16xi32>,
    %get3A_318 = vector.shape_cast %get3A_317 : vector<16xi32> to vector<16xi32>
    %shift_right_arithmetic3A_319 = arith.constant 7 : i32
    %shift_right_arithmetic3A_320 = vector.broadcast %shift_right_arithmetic3A_319 : i32 to vector<16xi32>
    %shift_right_arithmetic3A_321 = arith.shrsi %get3A_318, %shift_right_arithmetic3A_320 : vector<16xi32>
    %and3A_322 = arith.constant 4095 : i32
    %and3A_323 = vector.broadcast %and3A_322 : i32 to vector<16xi32>
    %and3A_324 = arith.andi %shift_right_arithmetic3A_321, %and3A_323 : vector<16xi32>
    %mul3A_325 = arith.constant 32 : i32
    %mul3A_326 = arith.muli %add3A, %mul3A_325 : i32
    %add3A_327 = arith.constant 15 : i32
    %add3A_328 = arith.addi %mul3A_326, %add3A_327 : i32
    %mul3A_329 = arith.constant 4096 : i32
    %mul3A_330 = arith.muli %add3A_328, %mul3A_329 : i32
    %add3A_331 = vector.broadcast %mul3A_330 : i32 to vector<16xi32>
    %add3A_332 = arith.addi %add3A_331, %and3A_324 : vector<16xi32>
    %swap3A_333 = arith.constant 240 : index
    %swap3A_334 = tpu.vector_load %arg11[%swap3A_333] {strides = array<i32>} : memref<512xi32, #tpu.memory_space<vmem>>, vector<16xi32>,
    %swap3A_335 = vector.shape_cast %swap3A_334 : vector<16xi32> to vector<16xi32>
    %swap3A_336 = vector.shape_cast %add3A_332 : vector<16xi32> to vector<16xi32>
    tpu.vector_store %arg11[%swap3A_333], %swap3A_336 {strides = array<i32>} : memref<512xi32, #tpu.memory_space<vmem>>, vector<16xi32>,
    %get3A_337 = arith.constant 256 : index
    %get3A_338 = tpu.vector_load %arg10[%get3A_337] {strides = array<i32>} : memref<512xi32, #tpu.memory_space<vmem>>, vector<16xi32>,
    %get3A_339 = vector.shape_cast %get3A_338 : vector<16xi32> to vector<16xi32>
    %shift_right_arithmetic3A_340 = arith.constant 7 : i32
    %shift_right_arithmetic3A_341 = vector.broadcast %shift_right_arithmetic3A_340 : i32 to vector<16xi32>
    %shift_right_arithmetic3A_342 = arith.shrsi %get3A_339, %shift_right_arithmetic3A_341 : vector<16xi32>
    %and3A_343 = arith.constant 4095 : i32
    %and3A_344 = vector.broadcast %and3A_343 : i32 to vector<16xi32>
    %and3A_345 = arith.andi %shift_right_arithmetic3A_342, %and3A_344 : vector<16xi32>
    %mul3A_346 = arith.constant 32 : i32
    %mul3A_347 = arith.muli %add3A, %mul3A_346 : i32
    %add3A_348 = arith.constant 16 : i32
    %add3A_349 = arith.addi %mul3A_347, %add3A_348 : i32
    %mul3A_350 = arith.constant 4096 : i32
    %mul3A_351 = arith.muli %add3A_349, %mul3A_350 : i32
    %add3A_352 = vector.broadcast %mul3A_351 : i32 to vector<16xi32>
    %add3A_353 = arith.addi %add3A_352, %and3A_345 : vector<16xi32>
    %swap3A_354 = arith.constant 256 : index
    %swap3A_355 = tpu.vector_load %arg11[%swap3A_354] {strides = array<i32>} : memref<512xi32, #tpu.memory_space<vmem>>, vector<16xi32>,
    %swap3A_356 = vector.shape_cast %swap3A_355 : vector<16xi32> to vector<16xi32>
    %swap3A_357 = vector.shape_cast %add3A_353 : vector<16xi32> to vector<16xi32>
    tpu.vector_store %arg11[%swap3A_354], %swap3A_357 {strides = array<i32>} : memref<512xi32, #tpu.memory_space<vmem>>, vector<16xi32>,
    %get3A_358 = arith.constant 272 : index
    %get3A_359 = tpu.vector_load %arg10[%get3A_358] {strides = array<i32>} : memref<512xi32, #tpu.memory_space<vmem>>, vector<16xi32>,
    %get3A_360 = vector.shape_cast %get3A_359 : vector<16xi32> to vector<16xi32>
    %shift_right_arithmetic3A_361 = arith.constant 7 : i32
    %shift_right_arithmetic3A_362 = vector.broadcast %shift_right_arithmetic3A_361 : i32 to vector<16xi32>
    %shift_right_arithmetic3A_363 = arith.shrsi %get3A_360, %shift_right_arithmetic3A_362 : vector<16xi32>
    %and3A_364 = arith.constant 4095 : i32
    %and3A_365 = vector.broadcast %and3A_364 : i32 to vector<16xi32>
    %and3A_366 = arith.andi %shift_right_arithmetic3A_363, %and3A_365 : vector<16xi32>
    %mul3A_367 = arith.constant 32 : i32
    %mul3A_368 = arith.muli %add3A, %mul3A_367 : i32
    %add3A_369 = arith.constant 17 : i32
    %add3A_370 = arith.addi %mul3A_368, %add3A_369 : i32
    %mul3A_371 = arith.constant 4096 : i32
    %mul3A_372 = arith.muli %add3A_370, %mul3A_371 : i32
    %add3A_373 = vector.broadcast %mul3A_372 : i32 to vector<16xi32>
    %add3A_374 = arith.addi %add3A_373, %and3A_366 : vector<16xi32>
    %swap3A_375 = arith.constant 272 : index
    %swap3A_376 = tpu.vector_load %arg11[%swap3A_375] {strides = array<i32>} : memref<512xi32, #tpu.memory_space<vmem>>, vector<16xi32>,
    %swap3A_377 = vector.shape_cast %swap3A_376 : vector<16xi32> to vector<16xi32>
    %swap3A_378 = vector.shape_cast %add3A_374 : vector<16xi32> to vector<16xi32>
    tpu.vector_store %arg11[%swap3A_375], %swap3A_378 {strides = array<i32>} : memref<512xi32, #tpu.memory_space<vmem>>, vector<16xi32>,
    %get3A_379 = arith.constant 288 : index
    %get3A_380 = tpu.vector_load %arg10[%get3A_379] {strides = array<i32>} : memref<512xi32, #tpu.memory_space<vmem>>, vector<16xi32>,
    %get3A_381 = vector.shape_cast %get3A_380 : vector<16xi32> to vector<16xi32>
    %shift_right_arithmetic3A_382 = arith.constant 7 : i32
    %shift_right_arithmetic3A_383 = vector.broadcast %shift_right_arithmetic3A_382 : i32 to vector<16xi32>
    %shift_right_arithmetic3A_384 = arith.shrsi %get3A_381, %shift_right_arithmetic3A_383 : vector<16xi32>
    %and3A_385 = arith.constant 4095 : i32
    %and3A_386 = vector.broadcast %and3A_385 : i32 to vector<16xi32>
    %and3A_387 = arith.andi %shift_right_arithmetic3A_384, %and3A_386 : vector<16xi32>
    %mul3A_388 = arith.constant 32 : i32
    %mul3A_389 = arith.muli %add3A, %mul3A_388 : i32
    %add3A_390 = arith.constant 18 : i32
    %add3A_391 = arith.addi %mul3A_389, %add3A_390 : i32
    %mul3A_392 = arith.constant 4096 : i32
    %mul3A_393 = arith.muli %add3A_391, %mul3A_392 : i32
    %add3A_394 = vector.broadcast %mul3A_393 : i32 to vector<16xi32>
    %add3A_395 = arith.addi %add3A_394, %and3A_387 : vector<16xi32>
    %swap3A_396 = arith.constant 288 : index
    %swap3A_397 = tpu.vector_load %arg11[%swap3A_396] {strides = array<i32>} : memref<512xi32, #tpu.memory_space<vmem>>, vector<16xi32>,
    %swap3A_398 = vector.shape_cast %swap3A_397 : vector<16xi32> to vector<16xi32>
    %swap3A_399 = vector.shape_cast %add3A_395 : vector<16xi32> to vector<16xi32>
    tpu.vector_store %arg11[%swap3A_396], %swap3A_399 {strides = array<i32>} : memref<512xi32, #tpu.memory_space<vmem>>, vector<16xi32>,
    %get3A_400 = arith.constant 304 : index
    %get3A_401 = tpu.vector_load %arg10[%get3A_400] {strides = array<i32>} : memref<512xi32, #tpu.memory_space<vmem>>, vector<16xi32>,
    %get3A_402 = vector.shape_cast %get3A_401 : vector<16xi32> to vector<16xi32>
    %shift_right_arithmetic3A_403 = arith.constant 7 : i32
    %shift_right_arithmetic3A_404 = vector.broadcast %shift_right_arithmetic3A_403 : i32 to vector<16xi32>
    %shift_right_arithmetic3A_405 = arith.shrsi %get3A_402, %shift_right_arithmetic3A_404 : vector<16xi32>
    %and3A_406 = arith.constant 4095 : i32
    %and3A_407 = vector.broadcast %and3A_406 : i32 to vector<16xi32>
    %and3A_408 = arith.andi %shift_right_arithmetic3A_405, %and3A_407 : vector<16xi32>
    %mul3A_409 = arith.constant 32 : i32
    %mul3A_410 = arith.muli %add3A, %mul3A_409 : i32
    %add3A_411 = arith.constant 19 : i32
    %add3A_412 = arith.addi %mul3A_410, %add3A_411 : i32
    %mul3A_413 = arith.constant 4096 : i32
    %mul3A_414 = arith.muli %add3A_412, %mul3A_413 : i32
    %add3A_415 = vector.broadcast %mul3A_414 : i32 to vector<16xi32>
    %add3A_416 = arith.addi %add3A_415, %and3A_408 : vector<16xi32>
    %swap3A_417 = arith.constant 304 : index
    %swap3A_418 = tpu.vector_load %arg11[%swap3A_417] {strides = array<i32>} : memref<512xi32, #tpu.memory_space<vmem>>, vector<16xi32>,
    %swap3A_419 = vector.shape_cast %swap3A_418 : vector<16xi32> to vector<16xi32>
    %swap3A_420 = vector.shape_cast %add3A_416 : vector<16xi32> to vector<16xi32>
    tpu.vector_store %arg11[%swap3A_417], %swap3A_420 {strides = array<i32>} : memref<512xi32, #tpu.memory_space<vmem>>, vector<16xi32>,
    %get3A_421 = arith.constant 320 : index
    %get3A_422 = tpu.vector_load %arg10[%get3A_421] {strides = array<i32>} : memref<512xi32, #tpu.memory_space<vmem>>, vector<16xi32>,
    %get3A_423 = vector.shape_cast %get3A_422 : vector<16xi32> to vector<16xi32>
    %shift_right_arithmetic3A_424 = arith.constant 7 : i32
    %shift_right_arithmetic3A_425 = vector.broadcast %shift_right_arithmetic3A_424 : i32 to vector<16xi32>
    %shift_right_arithmetic3A_426 = arith.shrsi %get3A_423, %shift_right_arithmetic3A_425 : vector<16xi32>
    %and3A_427 = arith.constant 4095 : i32
    %and3A_428 = vector.broadcast %and3A_427 : i32 to vector<16xi32>
    %and3A_429 = arith.andi %shift_right_arithmetic3A_426, %and3A_428 : vector<16xi32>
    %mul3A_430 = arith.constant 32 : i32
    %mul3A_431 = arith.muli %add3A, %mul3A_430 : i32
    %add3A_432 = arith.constant 20 : i32
    %add3A_433 = arith.addi %mul3A_431, %add3A_432 : i32
    %mul3A_434 = arith.constant 4096 : i32
    %mul3A_435 = arith.muli %add3A_433, %mul3A_434 : i32
    %add3A_436 = vector.broadcast %mul3A_435 : i32 to vector<16xi32>
    %add3A_437 = arith.addi %add3A_436, %and3A_429 : vector<16xi32>
    %swap3A_438 = arith.constant 320 : index
    %swap3A_439 = tpu.vector_load %arg11[%swap3A_438] {strides = array<i32>} : memref<512xi32, #tpu.memory_space<vmem>>, vector<16xi32>,
    %swap3A_440 = vector.shape_cast %swap3A_439 : vector<16xi32> to vector<16xi32>
    %swap3A_441 = vector.shape_cast %add3A_437 : vector<16xi32> to vector<16xi32>
    tpu.vector_store %arg11[%swap3A_438], %swap3A_441 {strides = array<i32>} : memref<512xi32, #tpu.memory_space<vmem>>, vector<16xi32>,
    %get3A_442 = arith.constant 336 : index
    %get3A_443 = tpu.vector_load %arg10[%get3A_442] {strides = array<i32>} : memref<512xi32, #tpu.memory_space<vmem>>, vector<16xi32>,
    %get3A_444 = vector.shape_cast %get3A_443 : vector<16xi32> to vector<16xi32>
    %shift_right_arithmetic3A_445 = arith.constant 7 : i32
    %shift_right_arithmetic3A_446 = vector.broadcast %shift_right_arithmetic3A_445 : i32 to vector<16xi32>
    %shift_right_arithmetic3A_447 = arith.shrsi %get3A_444, %shift_right_arithmetic3A_446 : vector<16xi32>
    %and3A_448 = arith.constant 4095 : i32
    %and3A_449 = vector.broadcast %and3A_448 : i32 to vector<16xi32>
    %and3A_450 = arith.andi %shift_right_arithmetic3A_447, %and3A_449 : vector<16xi32>
    %mul3A_451 = arith.constant 32 : i32
    %mul3A_452 = arith.muli %add3A, %mul3A_451 : i32
    %add3A_453 = arith.constant 21 : i32
    %add3A_454 = arith.addi %mul3A_452, %add3A_453 : i32
    %mul3A_455 = arith.constant 4096 : i32
    %mul3A_456 = arith.muli %add3A_454, %mul3A_455 : i32
    %add3A_457 = vector.broadcast %mul3A_456 : i32 to vector<16xi32>
    %add3A_458 = arith.addi %add3A_457, %and3A_450 : vector<16xi32>
    %swap3A_459 = arith.constant 336 : index
    %swap3A_460 = tpu.vector_load %arg11[%swap3A_459] {strides = array<i32>} : memref<512xi32, #tpu.memory_space<vmem>>, vector<16xi32>,
    %swap3A_461 = vector.shape_cast %swap3A_460 : vector<16xi32> to vector<16xi32>
    %swap3A_462 = vector.shape_cast %add3A_458 : vector<16xi32> to vector<16xi32>
    tpu.vector_store %arg11[%swap3A_459], %swap3A_462 {strides = array<i32>} : memref<512xi32, #tpu.memory_space<vmem>>, vector<16xi32>,
    %get3A_463 = arith.constant 352 : index
    %get3A_464 = tpu.vector_load %arg10[%get3A_463] {strides = array<i32>} : memref<512xi32, #tpu.memory_space<vmem>>, vector<16xi32>,
    %get3A_465 = vector.shape_cast %get3A_464 : vector<16xi32> to vector<16xi32>
    %shift_right_arithmetic3A_466 = arith.constant 7 : i32
    %shift_right_arithmetic3A_467 = vector.broadcast %shift_right_arithmetic3A_466 : i32 to vector<16xi32>
    %shift_right_arithmetic3A_468 = arith.shrsi %get3A_465, %shift_right_arithmetic3A_467 : vector<16xi32>
    %and3A_469 = arith.constant 4095 : i32
    %and3A_470 = vector.broadcast %and3A_469 : i32 to vector<16xi32>
    %and3A_471 = arith.andi %shift_right_arithmetic3A_468, %and3A_470 : vector<16xi32>
    %mul3A_472 = arith.constant 32 : i32
    %mul3A_473 = arith.muli %add3A, %mul3A_472 : i32
    %add3A_474 = arith.constant 22 : i32
    %add3A_475 = arith.addi %mul3A_473, %add3A_474 : i32
    %mul3A_476 = arith.constant 4096 : i32
    %mul3A_477 = arith.muli %add3A_475, %mul3A_476 : i32
    %add3A_478 = vector.broadcast %mul3A_477 : i32 to vector<16xi32>
    %add3A_479 = arith.addi %add3A_478, %and3A_471 : vector<16xi32>
    %swap3A_480 = arith.constant 352 : index
    %swap3A_481 = tpu.vector_load %arg11[%swap3A_480] {strides = array<i32>} : memref<512xi32, #tpu.memory_space<vmem>>, vector<16xi32>,
    %swap3A_482 = vector.shape_cast %swap3A_481 : vector<16xi32> to vector<16xi32>
    %swap3A_483 = vector.shape_cast %add3A_479 : vector<16xi32> to vector<16xi32>
    tpu.vector_store %arg11[%swap3A_480], %swap3A_483 {strides = array<i32>} : memref<512xi32, #tpu.memory_space<vmem>>, vector<16xi32>,
    %get3A_484 = arith.constant 368 : index
    %get3A_485 = tpu.vector_load %arg10[%get3A_484] {strides = array<i32>} : memref<512xi32, #tpu.memory_space<vmem>>, vector<16xi32>,
    %get3A_486 = vector.shape_cast %get3A_485 : vector<16xi32> to vector<16xi32>
    %shift_right_arithmetic3A_487 = arith.constant 7 : i32
    %shift_right_arithmetic3A_488 = vector.broadcast %shift_right_arithmetic3A_487 : i32 to vector<16xi32>
    %shift_right_arithmetic3A_489 = arith.shrsi %get3A_486, %shift_right_arithmetic3A_488 : vector<16xi32>
    %and3A_490 = arith.constant 4095 : i32
    %and3A_491 = vector.broadcast %and3A_490 : i32 to vector<16xi32>
    %and3A_492 = arith.andi %shift_right_arithmetic3A_489, %and3A_491 : vector<16xi32>
    %mul3A_493 = arith.constant 32 : i32
    %mul3A_494 = arith.muli %add3A, %mul3A_493 : i32
    %add3A_495 = arith.constant 23 : i32
    %add3A_496 = arith.addi %mul3A_494, %add3A_495 : i32
    %mul3A_497 = arith.constant 4096 : i32
    %mul3A_498 = arith.muli %add3A_496, %mul3A_497 : i32
    %add3A_499 = vector.broadcast %mul3A_498 : i32 to vector<16xi32>
    %add3A_500 = arith.addi %add3A_499, %and3A_492 : vector<16xi32>
    %swap3A_501 = arith.constant 368 : index
    %swap3A_502 = tpu.vector_load %arg11[%swap3A_501] {strides = array<i32>} : memref<512xi32, #tpu.memory_space<vmem>>, vector<16xi32>,
    %swap3A_503 = vector.shape_cast %swap3A_502 : vector<16xi32> to vector<16xi32>
    %swap3A_504 = vector.shape_cast %add3A_500 : vector<16xi32> to vector<16xi32>
    tpu.vector_store %arg11[%swap3A_501], %swap3A_504 {strides = array<i32>} : memref<512xi32, #tpu.memory_space<vmem>>, vector<16xi32>,
    %get3A_505 = arith.constant 384 : index
    %get3A_506 = tpu.vector_load %arg10[%get3A_505] {strides = array<i32>} : memref<512xi32, #tpu.memory_space<vmem>>, vector<16xi32>,
    %get3A_507 = vector.shape_cast %get3A_506 : vector<16xi32> to vector<16xi32>
    %shift_right_arithmetic3A_508 = arith.constant 7 : i32
    %shift_right_arithmetic3A_509 = vector.broadcast %shift_right_arithmetic3A_508 : i32 to vector<16xi32>
    %shift_right_arithmetic3A_510 = arith.shrsi %get3A_507, %shift_right_arithmetic3A_509 : vector<16xi32>
    %and3A_511 = arith.constant 4095 : i32
    %and3A_512 = vector.broadcast %and3A_511 : i32 to vector<16xi32>
    %and3A_513 = arith.andi %shift_right_arithmetic3A_510, %and3A_512 : vector<16xi32>
    %mul3A_514 = arith.constant 32 : i32
    %mul3A_515 = arith.muli %add3A, %mul3A_514 : i32
    %add3A_516 = arith.constant 24 : i32
    %add3A_517 = arith.addi %mul3A_515, %add3A_516 : i32
    %mul3A_518 = arith.constant 4096 : i32
    %mul3A_519 = arith.muli %add3A_517, %mul3A_518 : i32
    %add3A_520 = vector.broadcast %mul3A_519 : i32 to vector<16xi32>
    %add3A_521 = arith.addi %add3A_520, %and3A_513 : vector<16xi32>
    %swap3A_522 = arith.constant 384 : index
    %swap3A_523 = tpu.vector_load %arg11[%swap3A_522] {strides = array<i32>} : memref<512xi32, #tpu.memory_space<vmem>>, vector<16xi32>,
    %swap3A_524 = vector.shape_cast %swap3A_523 : vector<16xi32> to vector<16xi32>
    %swap3A_525 = vector.shape_cast %add3A_521 : vector<16xi32> to vector<16xi32>
    tpu.vector_store %arg11[%swap3A_522], %swap3A_525 {strides = array<i32>} : memref<512xi32, #tpu.memory_space<vmem>>, vector<16xi32>,
    %get3A_526 = arith.constant 400 : index
    %get3A_527 = tpu.vector_load %arg10[%get3A_526] {strides = array<i32>} : memref<512xi32, #tpu.memory_space<vmem>>, vector<16xi32>,
    %get3A_528 = vector.shape_cast %get3A_527 : vector<16xi32> to vector<16xi32>
    %shift_right_arithmetic3A_529 = arith.constant 7 : i32
    %shift_right_arithmetic3A_530 = vector.broadcast %shift_right_arithmetic3A_529 : i32 to vector<16xi32>
    %shift_right_arithmetic3A_531 = arith.shrsi %get3A_528, %shift_right_arithmetic3A_530 : vector<16xi32>
    %and3A_532 = arith.constant 4095 : i32
    %and3A_533 = vector.broadcast %and3A_532 : i32 to vector<16xi32>
    %and3A_534 = arith.andi %shift_right_arithmetic3A_531, %and3A_533 : vector<16xi32>
    %mul3A_535 = arith.constant 32 : i32
    %mul3A_536 = arith.muli %add3A, %mul3A_535 : i32
    %add3A_537 = arith.constant 25 : i32
    %add3A_538 = arith.addi %mul3A_536, %add3A_537 : i32
    %mul3A_539 = arith.constant 4096 : i32
    %mul3A_540 = arith.muli %add3A_538, %mul3A_539 : i32
    %add3A_541 = vector.broadcast %mul3A_540 : i32 to vector<16xi32>
    %add3A_542 = arith.addi %add3A_541, %and3A_534 : vector<16xi32>
    %swap3A_543 = arith.constant 400 : index
    %swap3A_544 = tpu.vector_load %arg11[%swap3A_543] {strides = array<i32>} : memref<512xi32, #tpu.memory_space<vmem>>, vector<16xi32>,
    %swap3A_545 = vector.shape_cast %swap3A_544 : vector<16xi32> to vector<16xi32>
    %swap3A_546 = vector.shape_cast %add3A_542 : vector<16xi32> to vector<16xi32>
    tpu.vector_store %arg11[%swap3A_543], %swap3A_546 {strides = array<i32>} : memref<512xi32, #tpu.memory_space<vmem>>, vector<16xi32>,
    %get3A_547 = arith.constant 416 : index
    %get3A_548 = tpu.vector_load %arg10[%get3A_547] {strides = array<i32>} : memref<512xi32, #tpu.memory_space<vmem>>, vector<16xi32>,
    %get3A_549 = vector.shape_cast %get3A_548 : vector<16xi32> to vector<16xi32>
    %shift_right_arithmetic3A_550 = arith.constant 7 : i32
    %shift_right_arithmetic3A_551 = vector.broadcast %shift_right_arithmetic3A_550 : i32 to vector<16xi32>
    %shift_right_arithmetic3A_552 = arith.shrsi %get3A_549, %shift_right_arithmetic3A_551 : vector<16xi32>
    %and3A_553 = arith.constant 4095 : i32
    %and3A_554 = vector.broadcast %and3A_553 : i32 to vector<16xi32>
    %and3A_555 = arith.andi %shift_right_arithmetic3A_552, %and3A_554 : vector<16xi32>
    %mul3A_556 = arith.constant 32 : i32
    %mul3A_557 = arith.muli %add3A, %mul3A_556 : i32
    %add3A_558 = arith.constant 26 : i32
    %add3A_559 = arith.addi %mul3A_557, %add3A_558 : i32
    %mul3A_560 = arith.constant 4096 : i32
    %mul3A_561 = arith.muli %add3A_559, %mul3A_560 : i32
    %add3A_562 = vector.broadcast %mul3A_561 : i32 to vector<16xi32>
    %add3A_563 = arith.addi %add3A_562, %and3A_555 : vector<16xi32>
    %swap3A_564 = arith.constant 416 : index
    %swap3A_565 = tpu.vector_load %arg11[%swap3A_564] {strides = array<i32>} : memref<512xi32, #tpu.memory_space<vmem>>, vector<16xi32>,
    %swap3A_566 = vector.shape_cast %swap3A_565 : vector<16xi32> to vector<16xi32>
    %swap3A_567 = vector.shape_cast %add3A_563 : vector<16xi32> to vector<16xi32>
    tpu.vector_store %arg11[%swap3A_564], %swap3A_567 {strides = array<i32>} : memref<512xi32, #tpu.memory_space<vmem>>, vector<16xi32>,
    %get3A_568 = arith.constant 432 : index
    %get3A_569 = tpu.vector_load %arg10[%get3A_568] {strides = array<i32>} : memref<512xi32, #tpu.memory_space<vmem>>, vector<16xi32>,
    %get3A_570 = vector.shape_cast %get3A_569 : vector<16xi32> to vector<16xi32>
    %shift_right_arithmetic3A_571 = arith.constant 7 : i32
    %shift_right_arithmetic3A_572 = vector.broadcast %shift_right_arithmetic3A_571 : i32 to vector<16xi32>
    %shift_right_arithmetic3A_573 = arith.shrsi %get3A_570, %shift_right_arithmetic3A_572 : vector<16xi32>
    %and3A_574 = arith.constant 4095 : i32
    %and3A_575 = vector.broadcast %and3A_574 : i32 to vector<16xi32>
    %and3A_576 = arith.andi %shift_right_arithmetic3A_573, %and3A_575 : vector<16xi32>
    %mul3A_577 = arith.constant 32 : i32
    %mul3A_578 = arith.muli %add3A, %mul3A_577 : i32
    %add3A_579 = arith.constant 27 : i32
    %add3A_580 = arith.addi %mul3A_578, %add3A_579 : i32
    %mul3A_581 = arith.constant 4096 : i32
    %mul3A_582 = arith.muli %add3A_580, %mul3A_581 : i32
    %add3A_583 = vector.broadcast %mul3A_582 : i32 to vector<16xi32>
    %add3A_584 = arith.addi %add3A_583, %and3A_576 : vector<16xi32>
    %swap3A_585 = arith.constant 432 : index
    %swap3A_586 = tpu.vector_load %arg11[%swap3A_585] {strides = array<i32>} : memref<512xi32, #tpu.memory_space<vmem>>, vector<16xi32>,
    %swap3A_587 = vector.shape_cast %swap3A_586 : vector<16xi32> to vector<16xi32>
    %swap3A_588 = vector.shape_cast %add3A_584 : vector<16xi32> to vector<16xi32>
    tpu.vector_store %arg11[%swap3A_585], %swap3A_588 {strides = array<i32>} : memref<512xi32, #tpu.memory_space<vmem>>, vector<16xi32>,
    %get3A_589 = arith.constant 448 : index
    %get3A_590 = tpu.vector_load %arg10[%get3A_589] {strides = array<i32>} : memref<512xi32, #tpu.memory_space<vmem>>, vector<16xi32>,
    %get3A_591 = vector.shape_cast %get3A_590 : vector<16xi32> to vector<16xi32>
    %shift_right_arithmetic3A_592 = arith.constant 7 : i32
    %shift_right_arithmetic3A_593 = vector.broadcast %shift_right_arithmetic3A_592 : i32 to vector<16xi32>
    %shift_right_arithmetic3A_594 = arith.shrsi %get3A_591, %shift_right_arithmetic3A_593 : vector<16xi32>
    %and3A_595 = arith.constant 4095 : i32
    %and3A_596 = vector.broadcast %and3A_595 : i32 to vector<16xi32>
    %and3A_597 = arith.andi %shift_right_arithmetic3A_594, %and3A_596 : vector<16xi32>
    %mul3A_598 = arith.constant 32 : i32
    %mul3A_599 = arith.muli %add3A, %mul3A_598 : i32
    %add3A_600 = arith.constant 28 : i32
    %add3A_601 = arith.addi %mul3A_599, %add3A_600 : i32
    %mul3A_602 = arith.constant 4096 : i32
    %mul3A_603 = arith.muli %add3A_601, %mul3A_602 : i32
    %add3A_604 = vector.broadcast %mul3A_603 : i32 to vector<16xi32>
    %add3A_605 = arith.addi %add3A_604, %and3A_597 : vector<16xi32>
    %swap3A_606 = arith.constant 448 : index
    %swap3A_607 = tpu.vector_load %arg11[%swap3A_606] {strides = array<i32>} : memref<512xi32, #tpu.memory_space<vmem>>, vector<16xi32>,
    %swap3A_608 = vector.shape_cast %swap3A_607 : vector<16xi32> to vector<16xi32>
    %swap3A_609 = vector.shape_cast %add3A_605 : vector<16xi32> to vector<16xi32>
    tpu.vector_store %arg11[%swap3A_606], %swap3A_609 {strides = array<i32>} : memref<512xi32, #tpu.memory_space<vmem>>, vector<16xi32>,
    %get3A_610 = arith.constant 464 : index
    %get3A_611 = tpu.vector_load %arg10[%get3A_610] {strides = array<i32>} : memref<512xi32, #tpu.memory_space<vmem>>, vector<16xi32>,
    %get3A_612 = vector.shape_cast %get3A_611 : vector<16xi32> to vector<16xi32>
    %shift_right_arithmetic3A_613 = arith.constant 7 : i32
    %shift_right_arithmetic3A_614 = vector.broadcast %shift_right_arithmetic3A_613 : i32 to vector<16xi32>
    %shift_right_arithmetic3A_615 = arith.shrsi %get3A_612, %shift_right_arithmetic3A_614 : vector<16xi32>
    %and3A_616 = arith.constant 4095 : i32
    %and3A_617 = vector.broadcast %and3A_616 : i32 to vector<16xi32>
    %and3A_618 = arith.andi %shift_right_arithmetic3A_615, %and3A_617 : vector<16xi32>
    %mul3A_619 = arith.constant 32 : i32
    %mul3A_620 = arith.muli %add3A, %mul3A_619 : i32
    %add3A_621 = arith.constant 29 : i32
    %add3A_622 = arith.addi %mul3A_620, %add3A_621 : i32
    %mul3A_623 = arith.constant 4096 : i32
    %mul3A_624 = arith.muli %add3A_622, %mul3A_623 : i32
    %add3A_625 = vector.broadcast %mul3A_624 : i32 to vector<16xi32>
    %add3A_626 = arith.addi %add3A_625, %and3A_618 : vector<16xi32>
    %swap3A_627 = arith.constant 464 : index
    %swap3A_628 = tpu.vector_load %arg11[%swap3A_627] {strides = array<i32>} : memref<512xi32, #tpu.memory_space<vmem>>, vector<16xi32>,
    %swap3A_629 = vector.shape_cast %swap3A_628 : vector<16xi32> to vector<16xi32>
    %swap3A_630 = vector.shape_cast %add3A_626 : vector<16xi32> to vector<16xi32>
    tpu.vector_store %arg11[%swap3A_627], %swap3A_630 {strides = array<i32>} : memref<512xi32, #tpu.memory_space<vmem>>, vector<16xi32>,
    %get3A_631 = arith.constant 480 : index
    %get3A_632 = tpu.vector_load %arg10[%get3A_631] {strides = array<i32>} : memref<512xi32, #tpu.memory_space<vmem>>, vector<16xi32>,
    %get3A_633 = vector.shape_cast %get3A_632 : vector<16xi32> to vector<16xi32>
    %shift_right_arithmetic3A_634 = arith.constant 7 : i32
    %shift_right_arithmetic3A_635 = vector.broadcast %shift_right_arithmetic3A_634 : i32 to vector<16xi32>
    %shift_right_arithmetic3A_636 = arith.shrsi %get3A_633, %shift_right_arithmetic3A_635 : vector<16xi32>
    %and3A_637 = arith.constant 4095 : i32
    %and3A_638 = vector.broadcast %and3A_637 : i32 to vector<16xi32>
    %and3A_639 = arith.andi %shift_right_arithmetic3A_636, %and3A_638 : vector<16xi32>
    %mul3A_640 = arith.constant 32 : i32
    %mul3A_641 = arith.muli %add3A, %mul3A_640 : i32
    %add3A_642 = arith.constant 30 : i32
    %add3A_643 = arith.addi %mul3A_641, %add3A_642 : i32
    %mul3A_644 = arith.constant 4096 : i32
    %mul3A_645 = arith.muli %add3A_643, %mul3A_644 : i32
    %add3A_646 = vector.broadcast %mul3A_645 : i32 to vector<16xi32>
    %add3A_647 = arith.addi %add3A_646, %and3A_639 : vector<16xi32>
    %swap3A_648 = arith.constant 480 : index
    %swap3A_649 = tpu.vector_load %arg11[%swap3A_648] {strides = array<i32>} : memref<512xi32, #tpu.memory_space<vmem>>, vector<16xi32>,
    %swap3A_650 = vector.shape_cast %swap3A_649 : vector<16xi32> to vector<16xi32>
    %swap3A_651 = vector.shape_cast %add3A_647 : vector<16xi32> to vector<16xi32>
    tpu.vector_store %arg11[%swap3A_648], %swap3A_651 {strides = array<i32>} : memref<512xi32, #tpu.memory_space<vmem>>, vector<16xi32>,
    %get3A_652 = arith.constant 496 : index
    %get3A_653 = tpu.vector_load %arg10[%get3A_652] {strides = array<i32>} : memref<512xi32, #tpu.memory_space<vmem>>, vector<16xi32>,
    %get3A_654 = vector.shape_cast %get3A_653 : vector<16xi32> to vector<16xi32>
    %shift_right_arithmetic3A_655 = arith.constant 7 : i32
    %shift_right_arithmetic3A_656 = vector.broadcast %shift_right_arithmetic3A_655 : i32 to vector<16xi32>
    %shift_right_arithmetic3A_657 = arith.shrsi %get3A_654, %shift_right_arithmetic3A_656 : vector<16xi32>
    %and3A_658 = arith.constant 4095 : i32
    %and3A_659 = vector.broadcast %and3A_658 : i32 to vector<16xi32>
    %and3A_660 = arith.andi %shift_right_arithmetic3A_657, %and3A_659 : vector<16xi32>
    %mul3A_661 = arith.constant 32 : i32
    %mul3A_662 = arith.muli %add3A, %mul3A_661 : i32
    %add3A_663 = arith.constant 31 : i32
    %add3A_664 = arith.addi %mul3A_662, %add3A_663 : i32
    %mul3A_665 = arith.constant 4096 : i32
    %mul3A_666 = arith.muli %add3A_664, %mul3A_665 : i32
    %add3A_667 = vector.broadcast %mul3A_666 : i32 to vector<16xi32>
    %add3A_668 = arith.addi %add3A_667, %and3A_660 : vector<16xi32>
    %swap3A_669 = arith.constant 496 : index
    %swap3A_670 = tpu.vector_load %arg11[%swap3A_669] {strides = array<i32>} : memref<512xi32, #tpu.memory_space<vmem>>, vector<16xi32>,
    %swap3A_671 = vector.shape_cast %swap3A_670 : vector<16xi32> to vector<16xi32>
    %swap3A_672 = vector.shape_cast %add3A_668 : vector<16xi32> to vector<16xi32>
    tpu.vector_store %arg11[%swap3A_669], %swap3A_672 {strides = array<i32>} : memref<512xi32, #tpu.memory_space<vmem>>, vector<16xi32>,
    %dma_start3A = arith.constant 0 : i32
    %dma_start3A_673 = tpu.memref_slice %arg12[%dma_start3A] : memref<512xf32, #tpu.memory_space<vmem>> -> memref<128xf32, #tpu.memory_space<vmem>>
    %dma_start3A_674 = arith.constant 0 : i32
    %dma_start3A_675 = tpu.memref_slice %arg11[%dma_start3A_674] : memref<512xi32, #tpu.memory_space<vmem>> -> memref<128xi32, #tpu.memory_space<vmem>>
    %dma_start3A_676 = arith.constant 0 : i32
    %dma_start3A_677 = tpu.memref_slice %arg4[%dma_start3A_676] : memref<4194304xf32, #tpu.memory_space<hbm>> -> memref<4194304xf32, #tpu.memory_space<hbm>>
    tpu.enqueue_indirect_dma source(%dma_start3A_677 : memref<4194304xf32, #tpu.memory_space<hbm>>) target(%dma_start3A_673 : memref<128xf32, #tpu.memory_space<vmem>>) offsets(%dma_start3A_675 : memref<128xi32, #tpu.memory_space<vmem>>) semaphore(%arg17 : memref<!tpu.dma_semaphore, #tpu.memory_space<semaphore_mem>>)
    %dma_start3A_678 = arith.constant 128 : i32
    %dma_start3A_679 = tpu.memref_slice %arg12[%dma_start3A_678] : memref<512xf32, #tpu.memory_space<vmem>> -> memref<128xf32, #tpu.memory_space<vmem>>
    %dma_start3A_680 = arith.constant 128 : i32
    %dma_start3A_681 = tpu.memref_slice %arg11[%dma_start3A_680] : memref<512xi32, #tpu.memory_space<vmem>> -> memref<128xi32, #tpu.memory_space<vmem>>
    %dma_start3A_682 = arith.constant 0 : i32
    %dma_start3A_683 = tpu.memref_slice %arg4[%dma_start3A_682] : memref<4194304xf32, #tpu.memory_space<hbm>> -> memref<4194304xf32, #tpu.memory_space<hbm>>
    tpu.enqueue_indirect_dma source(%dma_start3A_683 : memref<4194304xf32, #tpu.memory_space<hbm>>) target(%dma_start3A_679 : memref<128xf32, #tpu.memory_space<vmem>>) offsets(%dma_start3A_681 : memref<128xi32, #tpu.memory_space<vmem>>) semaphore(%arg17 : memref<!tpu.dma_semaphore, #tpu.memory_space<semaphore_mem>>)
    %dma_start3A_684 = arith.constant 256 : i32
    %dma_start3A_685 = tpu.memref_slice %arg12[%dma_start3A_684] : memref<512xf32, #tpu.memory_space<vmem>> -> memref<128xf32, #tpu.memory_space<vmem>>
    %dma_start3A_686 = arith.constant 256 : i32
    %dma_start3A_687 = tpu.memref_slice %arg11[%dma_start3A_686] : memref<512xi32, #tpu.memory_space<vmem>> -> memref<128xi32, #tpu.memory_space<vmem>>
    %dma_start3A_688 = arith.constant 0 : i32
    %dma_start3A_689 = tpu.memref_slice %arg4[%dma_start3A_688] : memref<4194304xf32, #tpu.memory_space<hbm>> -> memref<4194304xf32, #tpu.memory_space<hbm>>
    tpu.enqueue_indirect_dma source(%dma_start3A_689 : memref<4194304xf32, #tpu.memory_space<hbm>>) target(%dma_start3A_685 : memref<128xf32, #tpu.memory_space<vmem>>) offsets(%dma_start3A_687 : memref<128xi32, #tpu.memory_space<vmem>>) semaphore(%arg17 : memref<!tpu.dma_semaphore, #tpu.memory_space<semaphore_mem>>)
    %dma_start3A_690 = arith.constant 384 : i32
    %dma_start3A_691 = tpu.memref_slice %arg12[%dma_start3A_690] : memref<512xf32, #tpu.memory_space<vmem>> -> memref<128xf32, #tpu.memory_space<vmem>>
    %dma_start3A_692 = arith.constant 384 : i32
    %dma_start3A_693 = tpu.memref_slice %arg11[%dma_start3A_692] : memref<512xi32, #tpu.memory_space<vmem>> -> memref<128xi32, #tpu.memory_space<vmem>>
    %dma_start3A_694 = arith.constant 0 : i32
    %dma_start3A_695 = tpu.memref_slice %arg4[%dma_start3A_694] : memref<4194304xf32, #tpu.memory_space<hbm>> -> memref<4194304xf32, #tpu.memory_space<hbm>>
    tpu.enqueue_indirect_dma source(%dma_start3A_695 : memref<4194304xf32, #tpu.memory_space<hbm>>) target(%dma_start3A_691 : memref<128xf32, #tpu.memory_space<vmem>>) offsets(%dma_start3A_693 : memref<128xi32, #tpu.memory_space<vmem>>) semaphore(%arg17 : memref<!tpu.dma_semaphore, #tpu.memory_space<semaphore_mem>>)
    %dma_start3A_696 = arith.constant 0 : i32
    %dma_start3A_697 = tpu.memref_slice %arg13[%dma_start3A_696] : memref<512xi32, #tpu.memory_space<vmem>> -> memref<128xi32, #tpu.memory_space<vmem>>
    %dma_start3A_698 = arith.constant 0 : i32
    %dma_start3A_699 = tpu.memref_slice %arg11[%dma_start3A_698] : memref<512xi32, #tpu.memory_space<vmem>> -> memref<128xi32, #tpu.memory_space<vmem>>
    %dma_start3A_700 = arith.constant 0 : i32
    %dma_start3A_701 = tpu.memref_slice %arg6[%dma_start3A_700] : memref<4194304xi32, #tpu.memory_space<hbm>> -> memref<4194304xi32, #tpu.memory_space<hbm>>
    tpu.enqueue_indirect_dma source(%dma_start3A_701 : memref<4194304xi32, #tpu.memory_space<hbm>>) target(%dma_start3A_697 : memref<128xi32, #tpu.memory_space<vmem>>) offsets(%dma_start3A_699 : memref<128xi32, #tpu.memory_space<vmem>>) semaphore(%arg17 : memref<!tpu.dma_semaphore, #tpu.memory_space<semaphore_mem>>)
    %dma_start3A_702 = arith.constant 128 : i32
    %dma_start3A_703 = tpu.memref_slice %arg13[%dma_start3A_702] : memref<512xi32, #tpu.memory_space<vmem>> -> memref<128xi32, #tpu.memory_space<vmem>>
    %dma_start3A_704 = arith.constant 128 : i32
    %dma_start3A_705 = tpu.memref_slice %arg11[%dma_start3A_704] : memref<512xi32, #tpu.memory_space<vmem>> -> memref<128xi32, #tpu.memory_space<vmem>>
    %dma_start3A_706 = arith.constant 0 : i32
    %dma_start3A_707 = tpu.memref_slice %arg6[%dma_start3A_706] : memref<4194304xi32, #tpu.memory_space<hbm>> -> memref<4194304xi32, #tpu.memory_space<hbm>>
    tpu.enqueue_indirect_dma source(%dma_start3A_707 : memref<4194304xi32, #tpu.memory_space<hbm>>) target(%dma_start3A_703 : memref<128xi32, #tpu.memory_space<vmem>>) offsets(%dma_start3A_705 : memref<128xi32, #tpu.memory_space<vmem>>) semaphore(%arg17 : memref<!tpu.dma_semaphore, #tpu.memory_space<semaphore_mem>>)
    %dma_start3A_708 = arith.constant 256 : i32
    %dma_start3A_709 = tpu.memref_slice %arg13[%dma_start3A_708] : memref<512xi32, #tpu.memory_space<vmem>> -> memref<128xi32, #tpu.memory_space<vmem>>
    %dma_start3A_710 = arith.constant 256 : i32
    %dma_start3A_711 = tpu.memref_slice %arg11[%dma_start3A_710] : memref<512xi32, #tpu.memory_space<vmem>> -> memref<128xi32, #tpu.memory_space<vmem>>
    %dma_start3A_712 = arith.constant 0 : i32
    %dma_start3A_713 = tpu.memref_slice %arg6[%dma_start3A_712] : memref<4194304xi32, #tpu.memory_space<hbm>> -> memref<4194304xi32, #tpu.memory_space<hbm>>
    tpu.enqueue_indirect_dma source(%dma_start3A_713 : memref<4194304xi32, #tpu.memory_space<hbm>>) target(%dma_start3A_709 : memref<128xi32, #tpu.memory_space<vmem>>) offsets(%dma_start3A_711 : memref<128xi32, #tpu.memory_space<vmem>>) semaphore(%arg17 : memref<!tpu.dma_semaphore, #tpu.memory_space<semaphore_mem>>)
    %dma_start3A_714 = arith.constant 384 : i32
    %dma_start3A_715 = tpu.memref_slice %arg13[%dma_start3A_714] : memref<512xi32, #tpu.memory_space<vmem>> -> memref<128xi32, #tpu.memory_space<vmem>>
    %dma_start3A_716 = arith.constant 384 : i32
    %dma_start3A_717 = tpu.memref_slice %arg11[%dma_start3A_716] : memref<512xi32, #tpu.memory_space<vmem>> -> memref<128xi32, #tpu.memory_space<vmem>>
    %dma_start3A_718 = arith.constant 0 : i32
    %dma_start3A_719 = tpu.memref_slice %arg6[%dma_start3A_718] : memref<4194304xi32, #tpu.memory_space<hbm>> -> memref<4194304xi32, #tpu.memory_space<hbm>>
    tpu.enqueue_indirect_dma source(%dma_start3A_719 : memref<4194304xi32, #tpu.memory_space<hbm>>) target(%dma_start3A_715 : memref<128xi32, #tpu.memory_space<vmem>>) offsets(%dma_start3A_717 : memref<128xi32, #tpu.memory_space<vmem>>) semaphore(%arg17 : memref<!tpu.dma_semaphore, #tpu.memory_space<semaphore_mem>>)
    %dma_start3A_720 = arith.constant 0 : i32
    %dma_start3A_721 = tpu.memref_slice %arg14[%dma_start3A_720] : memref<512xf32, #tpu.memory_space<vmem>> -> memref<128xf32, #tpu.memory_space<vmem>>
    %dma_start3A_722 = arith.constant 0 : i32
    %dma_start3A_723 = tpu.memref_slice %arg11[%dma_start3A_722] : memref<512xi32, #tpu.memory_space<vmem>> -> memref<128xi32, #tpu.memory_space<vmem>>
    %dma_start3A_724 = arith.constant 0 : i32
    %dma_start3A_725 = tpu.memref_slice %arg5[%dma_start3A_724] : memref<4194304xf32, #tpu.memory_space<hbm>> -> memref<4194304xf32, #tpu.memory_space<hbm>>
    tpu.enqueue_indirect_dma source(%dma_start3A_725 : memref<4194304xf32, #tpu.memory_space<hbm>>) target(%dma_start3A_721 : memref<128xf32, #tpu.memory_space<vmem>>) offsets(%dma_start3A_723 : memref<128xi32, #tpu.memory_space<vmem>>) semaphore(%arg17 : memref<!tpu.dma_semaphore, #tpu.memory_space<semaphore_mem>>)
    %dma_start3A_726 = arith.constant 128 : i32
    %dma_start3A_727 = tpu.memref_slice %arg14[%dma_start3A_726] : memref<512xf32, #tpu.memory_space<vmem>> -> memref<128xf32, #tpu.memory_space<vmem>>
    %dma_start3A_728 = arith.constant 128 : i32
    %dma_start3A_729 = tpu.memref_slice %arg11[%dma_start3A_728] : memref<512xi32, #tpu.memory_space<vmem>> -> memref<128xi32, #tpu.memory_space<vmem>>
    %dma_start3A_730 = arith.constant 0 : i32
    %dma_start3A_731 = tpu.memref_slice %arg5[%dma_start3A_730] : memref<4194304xf32, #tpu.memory_space<hbm>> -> memref<4194304xf32, #tpu.memory_space<hbm>>
    tpu.enqueue_indirect_dma source(%dma_start3A_731 : memref<4194304xf32, #tpu.memory_space<hbm>>) target(%dma_start3A_727 : memref<128xf32, #tpu.memory_space<vmem>>) offsets(%dma_start3A_729 : memref<128xi32, #tpu.memory_space<vmem>>) semaphore(%arg17 : memref<!tpu.dma_semaphore, #tpu.memory_space<semaphore_mem>>)
    %dma_start3A_732 = arith.constant 256 : i32
    %dma_start3A_733 = tpu.memref_slice %arg14[%dma_start3A_732] : memref<512xf32, #tpu.memory_space<vmem>> -> memref<128xf32, #tpu.memory_space<vmem>>
    %dma_start3A_734 = arith.constant 256 : i32
    %dma_start3A_735 = tpu.memref_slice %arg11[%dma_start3A_734] : memref<512xi32, #tpu.memory_space<vmem>> -> memref<128xi32, #tpu.memory_space<vmem>>
    %dma_start3A_736 = arith.constant 0 : i32
    %dma_start3A_737 = tpu.memref_slice %arg5[%dma_start3A_736] : memref<4194304xf32, #tpu.memory_space<hbm>> -> memref<4194304xf32, #tpu.memory_space<hbm>>
    tpu.enqueue_indirect_dma source(%dma_start3A_737 : memref<4194304xf32, #tpu.memory_space<hbm>>) target(%dma_start3A_733 : memref<128xf32, #tpu.memory_space<vmem>>) offsets(%dma_start3A_735 : memref<128xi32, #tpu.memory_space<vmem>>) semaphore(%arg17 : memref<!tpu.dma_semaphore, #tpu.memory_space<semaphore_mem>>)
    %dma_start3A_738 = arith.constant 384 : i32
    %dma_start3A_739 = tpu.memref_slice %arg14[%dma_start3A_738] : memref<512xf32, #tpu.memory_space<vmem>> -> memref<128xf32, #tpu.memory_space<vmem>>
    %dma_start3A_740 = arith.constant 384 : i32
    %dma_start3A_741 = tpu.memref_slice %arg11[%dma_start3A_740] : memref<512xi32, #tpu.memory_space<vmem>> -> memref<128xi32, #tpu.memory_space<vmem>>
    %dma_start3A_742 = arith.constant 0 : i32
    %dma_start3A_743 = tpu.memref_slice %arg5[%dma_start3A_742] : memref<4194304xf32, #tpu.memory_space<hbm>> -> memref<4194304xf32, #tpu.memory_space<hbm>>
    tpu.enqueue_indirect_dma source(%dma_start3A_743 : memref<4194304xf32, #tpu.memory_space<hbm>>) target(%dma_start3A_739 : memref<128xf32, #tpu.memory_space<vmem>>) offsets(%dma_start3A_741 : memref<128xi32, #tpu.memory_space<vmem>>) semaphore(%arg17 : memref<!tpu.dma_semaphore, #tpu.memory_space<semaphore_mem>>)
    %dma_start3A_744 = arith.constant 0 : i32
    %dma_start3A_745 = tpu.memref_slice %arg15[%dma_start3A_744] : memref<512xi32, #tpu.memory_space<vmem>> -> memref<128xi32, #tpu.memory_space<vmem>>
    %dma_start3A_746 = arith.constant 0 : i32
    %dma_start3A_747 = tpu.memref_slice %arg11[%dma_start3A_746] : memref<512xi32, #tpu.memory_space<vmem>> -> memref<128xi32, #tpu.memory_space<vmem>>
    %dma_start3A_748 = arith.constant 0 : i32
    %dma_start3A_749 = tpu.memref_slice %arg7[%dma_start3A_748] : memref<4194304xi32, #tpu.memory_space<hbm>> -> memref<4194304xi32, #tpu.memory_space<hbm>>
    tpu.enqueue_indirect_dma source(%dma_start3A_749 : memref<4194304xi32, #tpu.memory_space<hbm>>) target(%dma_start3A_745 : memref<128xi32, #tpu.memory_space<vmem>>) offsets(%dma_start3A_747 : memref<128xi32, #tpu.memory_space<vmem>>) semaphore(%arg17 : memref<!tpu.dma_semaphore, #tpu.memory_space<semaphore_mem>>)
    %dma_start3A_750 = arith.constant 128 : i32
    %dma_start3A_751 = tpu.memref_slice %arg15[%dma_start3A_750] : memref<512xi32, #tpu.memory_space<vmem>> -> memref<128xi32, #tpu.memory_space<vmem>>
    %dma_start3A_752 = arith.constant 128 : i32
    %dma_start3A_753 = tpu.memref_slice %arg11[%dma_start3A_752] : memref<512xi32, #tpu.memory_space<vmem>> -> memref<128xi32, #tpu.memory_space<vmem>>
    %dma_start3A_754 = arith.constant 0 : i32
    %dma_start3A_755 = tpu.memref_slice %arg7[%dma_start3A_754] : memref<4194304xi32, #tpu.memory_space<hbm>> -> memref<4194304xi32, #tpu.memory_space<hbm>>
    tpu.enqueue_indirect_dma source(%dma_start3A_755 : memref<4194304xi32, #tpu.memory_space<hbm>>) target(%dma_start3A_751 : memref<128xi32, #tpu.memory_space<vmem>>) offsets(%dma_start3A_753 : memref<128xi32, #tpu.memory_space<vmem>>) semaphore(%arg17 : memref<!tpu.dma_semaphore, #tpu.memory_space<semaphore_mem>>)
    %dma_start3A_756 = arith.constant 256 : i32
    %dma_start3A_757 = tpu.memref_slice %arg15[%dma_start3A_756] : memref<512xi32, #tpu.memory_space<vmem>> -> memref<128xi32, #tpu.memory_space<vmem>>
    %dma_start3A_758 = arith.constant 256 : i32
    %dma_start3A_759 = tpu.memref_slice %arg11[%dma_start3A_758] : memref<512xi32, #tpu.memory_space<vmem>> -> memref<128xi32, #tpu.memory_space<vmem>>
    %dma_start3A_760 = arith.constant 0 : i32
    %dma_start3A_761 = tpu.memref_slice %arg7[%dma_start3A_760] : memref<4194304xi32, #tpu.memory_space<hbm>> -> memref<4194304xi32, #tpu.memory_space<hbm>>
    tpu.enqueue_indirect_dma source(%dma_start3A_761 : memref<4194304xi32, #tpu.memory_space<hbm>>) target(%dma_start3A_757 : memref<128xi32, #tpu.memory_space<vmem>>) offsets(%dma_start3A_759 : memref<128xi32, #tpu.memory_space<vmem>>) semaphore(%arg17 : memref<!tpu.dma_semaphore, #tpu.memory_space<semaphore_mem>>)
    %dma_start3A_762 = arith.constant 384 : i32
    %dma_start3A_763 = tpu.memref_slice %arg15[%dma_start3A_762] : memref<512xi32, #tpu.memory_space<vmem>> -> memref<128xi32, #tpu.memory_space<vmem>>
    %dma_start3A_764 = arith.constant 384 : i32
    %dma_start3A_765 = tpu.memref_slice %arg11[%dma_start3A_764] : memref<512xi32, #tpu.memory_space<vmem>> -> memref<128xi32, #tpu.memory_space<vmem>>
    %dma_start3A_766 = arith.constant 0 : i32
    %dma_start3A_767 = tpu.memref_slice %arg7[%dma_start3A_766] : memref<4194304xi32, #tpu.memory_space<hbm>> -> memref<4194304xi32, #tpu.memory_space<hbm>>
    tpu.enqueue_indirect_dma source(%dma_start3A_767 : memref<4194304xi32, #tpu.memory_space<hbm>>) target(%dma_start3A_763 : memref<128xi32, #tpu.memory_space<vmem>>) offsets(%dma_start3A_765 : memref<128xi32, #tpu.memory_space<vmem>>) semaphore(%arg17 : memref<!tpu.dma_semaphore, #tpu.memory_space<semaphore_mem>>)
    %dma_wait3A = arith.constant 0 : i32
    %dma_wait3A_768 = tpu.memref_slice %arg12[%dma_wait3A] : memref<512xf32, #tpu.memory_space<vmem>> -> memref<128xf32, #tpu.memory_space<vmem>>
    %dma_wait3A_769 = arith.constant 0 : i32
    %dma_wait3A_770 = tpu.memref_slice %arg11[%dma_wait3A_769] : memref<512xi32, #tpu.memory_space<vmem>> -> memref<128xi32, #tpu.memory_space<vmem>>
    %dma_wait3A_771 = arith.constant 0 : i32
    %dma_wait3A_772 = tpu.memref_slice %arg4[%dma_wait3A_771] : memref<4194304xf32, #tpu.memory_space<hbm>> -> memref<4194304xf32, #tpu.memory_space<hbm>>
    tpu.wait_indirect_dma semaphore(%arg17 : memref<!tpu.dma_semaphore, #tpu.memory_space<semaphore_mem>>) src(%dma_wait3A_772 : memref<4194304xf32, #tpu.memory_space<hbm>>) dst(%dma_wait3A_768 : memref<128xf32, #tpu.memory_space<vmem>>)
    %dma_wait3A_773 = arith.constant 128 : i32
    %dma_wait3A_774 = tpu.memref_slice %arg12[%dma_wait3A_773] : memref<512xf32, #tpu.memory_space<vmem>> -> memref<128xf32, #tpu.memory_space<vmem>>
    %dma_wait3A_775 = arith.constant 128 : i32
    %dma_wait3A_776 = tpu.memref_slice %arg11[%dma_wait3A_775] : memref<512xi32, #tpu.memory_space<vmem>> -> memref<128xi32, #tpu.memory_space<vmem>>
    %dma_wait3A_777 = arith.constant 0 : i32
    %dma_wait3A_778 = tpu.memref_slice %arg4[%dma_wait3A_777] : memref<4194304xf32, #tpu.memory_space<hbm>> -> memref<4194304xf32, #tpu.memory_space<hbm>>
    tpu.wait_indirect_dma semaphore(%arg17 : memref<!tpu.dma_semaphore, #tpu.memory_space<semaphore_mem>>) src(%dma_wait3A_778 : memref<4194304xf32, #tpu.memory_space<hbm>>) dst(%dma_wait3A_774 : memref<128xf32, #tpu.memory_space<vmem>>)
    %dma_wait3A_779 = arith.constant 256 : i32
    %dma_wait3A_780 = tpu.memref_slice %arg12[%dma_wait3A_779] : memref<512xf32, #tpu.memory_space<vmem>> -> memref<128xf32, #tpu.memory_space<vmem>>
    %dma_wait3A_781 = arith.constant 256 : i32
    %dma_wait3A_782 = tpu.memref_slice %arg11[%dma_wait3A_781] : memref<512xi32, #tpu.memory_space<vmem>> -> memref<128xi32, #tpu.memory_space<vmem>>
    %dma_wait3A_783 = arith.constant 0 : i32
    %dma_wait3A_784 = tpu.memref_slice %arg4[%dma_wait3A_783] : memref<4194304xf32, #tpu.memory_space<hbm>> -> memref<4194304xf32, #tpu.memory_space<hbm>>
    tpu.wait_indirect_dma semaphore(%arg17 : memref<!tpu.dma_semaphore, #tpu.memory_space<semaphore_mem>>) src(%dma_wait3A_784 : memref<4194304xf32, #tpu.memory_space<hbm>>) dst(%dma_wait3A_780 : memref<128xf32, #tpu.memory_space<vmem>>)
    %dma_wait3A_785 = arith.constant 384 : i32
    %dma_wait3A_786 = tpu.memref_slice %arg12[%dma_wait3A_785] : memref<512xf32, #tpu.memory_space<vmem>> -> memref<128xf32, #tpu.memory_space<vmem>>
    %dma_wait3A_787 = arith.constant 384 : i32
    %dma_wait3A_788 = tpu.memref_slice %arg11[%dma_wait3A_787] : memref<512xi32, #tpu.memory_space<vmem>> -> memref<128xi32, #tpu.memory_space<vmem>>
    %dma_wait3A_789 = arith.constant 0 : i32
    %dma_wait3A_790 = tpu.memref_slice %arg4[%dma_wait3A_789] : memref<4194304xf32, #tpu.memory_space<hbm>> -> memref<4194304xf32, #tpu.memory_space<hbm>>
    tpu.wait_indirect_dma semaphore(%arg17 : memref<!tpu.dma_semaphore, #tpu.memory_space<semaphore_mem>>) src(%dma_wait3A_790 : memref<4194304xf32, #tpu.memory_space<hbm>>) dst(%dma_wait3A_786 : memref<128xf32, #tpu.memory_space<vmem>>)
    %dma_wait3A_791 = arith.constant 0 : i32
    %dma_wait3A_792 = tpu.memref_slice %arg13[%dma_wait3A_791] : memref<512xi32, #tpu.memory_space<vmem>> -> memref<128xi32, #tpu.memory_space<vmem>>
    %dma_wait3A_793 = arith.constant 0 : i32
    %dma_wait3A_794 = tpu.memref_slice %arg11[%dma_wait3A_793] : memref<512xi32, #tpu.memory_space<vmem>> -> memref<128xi32, #tpu.memory_space<vmem>>
    %dma_wait3A_795 = arith.constant 0 : i32
    %dma_wait3A_796 = tpu.memref_slice %arg6[%dma_wait3A_795] : memref<4194304xi32, #tpu.memory_space<hbm>> -> memref<4194304xi32, #tpu.memory_space<hbm>>
    tpu.wait_indirect_dma semaphore(%arg17 : memref<!tpu.dma_semaphore, #tpu.memory_space<semaphore_mem>>) src(%dma_wait3A_796 : memref<4194304xi32, #tpu.memory_space<hbm>>) dst(%dma_wait3A_792 : memref<128xi32, #tpu.memory_space<vmem>>)
    %dma_wait3A_797 = arith.constant 128 : i32
    %dma_wait3A_798 = tpu.memref_slice %arg13[%dma_wait3A_797] : memref<512xi32, #tpu.memory_space<vmem>> -> memref<128xi32, #tpu.memory_space<vmem>>
    %dma_wait3A_799 = arith.constant 128 : i32
    %dma_wait3A_800 = tpu.memref_slice %arg11[%dma_wait3A_799] : memref<512xi32, #tpu.memory_space<vmem>> -> memref<128xi32, #tpu.memory_space<vmem>>
    %dma_wait3A_801 = arith.constant 0 : i32
    %dma_wait3A_802 = tpu.memref_slice %arg6[%dma_wait3A_801] : memref<4194304xi32, #tpu.memory_space<hbm>> -> memref<4194304xi32, #tpu.memory_space<hbm>>
    tpu.wait_indirect_dma semaphore(%arg17 : memref<!tpu.dma_semaphore, #tpu.memory_space<semaphore_mem>>) src(%dma_wait3A_802 : memref<4194304xi32, #tpu.memory_space<hbm>>) dst(%dma_wait3A_798 : memref<128xi32, #tpu.memory_space<vmem>>)
    %dma_wait3A_803 = arith.constant 256 : i32
    %dma_wait3A_804 = tpu.memref_slice %arg13[%dma_wait3A_803] : memref<512xi32, #tpu.memory_space<vmem>> -> memref<128xi32, #tpu.memory_space<vmem>>
    %dma_wait3A_805 = arith.constant 256 : i32
    %dma_wait3A_806 = tpu.memref_slice %arg11[%dma_wait3A_805] : memref<512xi32, #tpu.memory_space<vmem>> -> memref<128xi32, #tpu.memory_space<vmem>>
    %dma_wait3A_807 = arith.constant 0 : i32
    %dma_wait3A_808 = tpu.memref_slice %arg6[%dma_wait3A_807] : memref<4194304xi32, #tpu.memory_space<hbm>> -> memref<4194304xi32, #tpu.memory_space<hbm>>
    tpu.wait_indirect_dma semaphore(%arg17 : memref<!tpu.dma_semaphore, #tpu.memory_space<semaphore_mem>>) src(%dma_wait3A_808 : memref<4194304xi32, #tpu.memory_space<hbm>>) dst(%dma_wait3A_804 : memref<128xi32, #tpu.memory_space<vmem>>)
    %dma_wait3A_809 = arith.constant 384 : i32
    %dma_wait3A_810 = tpu.memref_slice %arg13[%dma_wait3A_809] : memref<512xi32, #tpu.memory_space<vmem>> -> memref<128xi32, #tpu.memory_space<vmem>>
    %dma_wait3A_811 = arith.constant 384 : i32
    %dma_wait3A_812 = tpu.memref_slice %arg11[%dma_wait3A_811] : memref<512xi32, #tpu.memory_space<vmem>> -> memref<128xi32, #tpu.memory_space<vmem>>
    %dma_wait3A_813 = arith.constant 0 : i32
    %dma_wait3A_814 = tpu.memref_slice %arg6[%dma_wait3A_813] : memref<4194304xi32, #tpu.memory_space<hbm>> -> memref<4194304xi32, #tpu.memory_space<hbm>>
    tpu.wait_indirect_dma semaphore(%arg17 : memref<!tpu.dma_semaphore, #tpu.memory_space<semaphore_mem>>) src(%dma_wait3A_814 : memref<4194304xi32, #tpu.memory_space<hbm>>) dst(%dma_wait3A_810 : memref<128xi32, #tpu.memory_space<vmem>>)
    %dma_wait3A_815 = arith.constant 0 : i32
    %dma_wait3A_816 = tpu.memref_slice %arg14[%dma_wait3A_815] : memref<512xf32, #tpu.memory_space<vmem>> -> memref<128xf32, #tpu.memory_space<vmem>>
    %dma_wait3A_817 = arith.constant 0 : i32
    %dma_wait3A_818 = tpu.memref_slice %arg11[%dma_wait3A_817] : memref<512xi32, #tpu.memory_space<vmem>> -> memref<128xi32, #tpu.memory_space<vmem>>
    %dma_wait3A_819 = arith.constant 0 : i32
    %dma_wait3A_820 = tpu.memref_slice %arg5[%dma_wait3A_819] : memref<4194304xf32, #tpu.memory_space<hbm>> -> memref<4194304xf32, #tpu.memory_space<hbm>>
    tpu.wait_indirect_dma semaphore(%arg17 : memref<!tpu.dma_semaphore, #tpu.memory_space<semaphore_mem>>) src(%dma_wait3A_820 : memref<4194304xf32, #tpu.memory_space<hbm>>) dst(%dma_wait3A_816 : memref<128xf32, #tpu.memory_space<vmem>>)
    %dma_wait3A_821 = arith.constant 128 : i32
    %dma_wait3A_822 = tpu.memref_slice %arg14[%dma_wait3A_821] : memref<512xf32, #tpu.memory_space<vmem>> -> memref<128xf32, #tpu.memory_space<vmem>>
    %dma_wait3A_823 = arith.constant 128 : i32
    %dma_wait3A_824 = tpu.memref_slice %arg11[%dma_wait3A_823] : memref<512xi32, #tpu.memory_space<vmem>> -> memref<128xi32, #tpu.memory_space<vmem>>
    %dma_wait3A_825 = arith.constant 0 : i32
    %dma_wait3A_826 = tpu.memref_slice %arg5[%dma_wait3A_825] : memref<4194304xf32, #tpu.memory_space<hbm>> -> memref<4194304xf32, #tpu.memory_space<hbm>>
    tpu.wait_indirect_dma semaphore(%arg17 : memref<!tpu.dma_semaphore, #tpu.memory_space<semaphore_mem>>) src(%dma_wait3A_826 : memref<4194304xf32, #tpu.memory_space<hbm>>) dst(%dma_wait3A_822 : memref<128xf32, #tpu.memory_space<vmem>>)
    %dma_wait3A_827 = arith.constant 256 : i32
    %dma_wait3A_828 = tpu.memref_slice %arg14[%dma_wait3A_827] : memref<512xf32, #tpu.memory_space<vmem>> -> memref<128xf32, #tpu.memory_space<vmem>>
    %dma_wait3A_829 = arith.constant 256 : i32
    %dma_wait3A_830 = tpu.memref_slice %arg11[%dma_wait3A_829] : memref<512xi32, #tpu.memory_space<vmem>> -> memref<128xi32, #tpu.memory_space<vmem>>
    %dma_wait3A_831 = arith.constant 0 : i32
    %dma_wait3A_832 = tpu.memref_slice %arg5[%dma_wait3A_831] : memref<4194304xf32, #tpu.memory_space<hbm>> -> memref<4194304xf32, #tpu.memory_space<hbm>>
    tpu.wait_indirect_dma semaphore(%arg17 : memref<!tpu.dma_semaphore, #tpu.memory_space<semaphore_mem>>) src(%dma_wait3A_832 : memref<4194304xf32, #tpu.memory_space<hbm>>) dst(%dma_wait3A_828 : memref<128xf32, #tpu.memory_space<vmem>>)
    %dma_wait3A_833 = arith.constant 384 : i32
    %dma_wait3A_834 = tpu.memref_slice %arg14[%dma_wait3A_833] : memref<512xf32, #tpu.memory_space<vmem>> -> memref<128xf32, #tpu.memory_space<vmem>>
    %dma_wait3A_835 = arith.constant 384 : i32
    %dma_wait3A_836 = tpu.memref_slice %arg11[%dma_wait3A_835] : memref<512xi32, #tpu.memory_space<vmem>> -> memref<128xi32, #tpu.memory_space<vmem>>
    %dma_wait3A_837 = arith.constant 0 : i32
    %dma_wait3A_838 = tpu.memref_slice %arg5[%dma_wait3A_837] : memref<4194304xf32, #tpu.memory_space<hbm>> -> memref<4194304xf32, #tpu.memory_space<hbm>>
    tpu.wait_indirect_dma semaphore(%arg17 : memref<!tpu.dma_semaphore, #tpu.memory_space<semaphore_mem>>) src(%dma_wait3A_838 : memref<4194304xf32, #tpu.memory_space<hbm>>) dst(%dma_wait3A_834 : memref<128xf32, #tpu.memory_space<vmem>>)
    %dma_wait3A_839 = arith.constant 0 : i32
    %dma_wait3A_840 = tpu.memref_slice %arg15[%dma_wait3A_839] : memref<512xi32, #tpu.memory_space<vmem>> -> memref<128xi32, #tpu.memory_space<vmem>>
    %dma_wait3A_841 = arith.constant 0 : i32
    %dma_wait3A_842 = tpu.memref_slice %arg11[%dma_wait3A_841] : memref<512xi32, #tpu.memory_space<vmem>> -> memref<128xi32, #tpu.memory_space<vmem>>
    %dma_wait3A_843 = arith.constant 0 : i32
    %dma_wait3A_844 = tpu.memref_slice %arg7[%dma_wait3A_843] : memref<4194304xi32, #tpu.memory_space<hbm>> -> memref<4194304xi32, #tpu.memory_space<hbm>>
    tpu.wait_indirect_dma semaphore(%arg17 : memref<!tpu.dma_semaphore, #tpu.memory_space<semaphore_mem>>) src(%dma_wait3A_844 : memref<4194304xi32, #tpu.memory_space<hbm>>) dst(%dma_wait3A_840 : memref<128xi32, #tpu.memory_space<vmem>>)
    %dma_wait3A_845 = arith.constant 128 : i32
    %dma_wait3A_846 = tpu.memref_slice %arg15[%dma_wait3A_845] : memref<512xi32, #tpu.memory_space<vmem>> -> memref<128xi32, #tpu.memory_space<vmem>>
    %dma_wait3A_847 = arith.constant 128 : i32
    %dma_wait3A_848 = tpu.memref_slice %arg11[%dma_wait3A_847] : memref<512xi32, #tpu.memory_space<vmem>> -> memref<128xi32, #tpu.memory_space<vmem>>
    %dma_wait3A_849 = arith.constant 0 : i32
    %dma_wait3A_850 = tpu.memref_slice %arg7[%dma_wait3A_849] : memref<4194304xi32, #tpu.memory_space<hbm>> -> memref<4194304xi32, #tpu.memory_space<hbm>>
    tpu.wait_indirect_dma semaphore(%arg17 : memref<!tpu.dma_semaphore, #tpu.memory_space<semaphore_mem>>) src(%dma_wait3A_850 : memref<4194304xi32, #tpu.memory_space<hbm>>) dst(%dma_wait3A_846 : memref<128xi32, #tpu.memory_space<vmem>>)
    %dma_wait3A_851 = arith.constant 256 : i32
    %dma_wait3A_852 = tpu.memref_slice %arg15[%dma_wait3A_851] : memref<512xi32, #tpu.memory_space<vmem>> -> memref<128xi32, #tpu.memory_space<vmem>>
    %dma_wait3A_853 = arith.constant 256 : i32
    %dma_wait3A_854 = tpu.memref_slice %arg11[%dma_wait3A_853] : memref<512xi32, #tpu.memory_space<vmem>> -> memref<128xi32, #tpu.memory_space<vmem>>
    %dma_wait3A_855 = arith.constant 0 : i32
    %dma_wait3A_856 = tpu.memref_slice %arg7[%dma_wait3A_855] : memref<4194304xi32, #tpu.memory_space<hbm>> -> memref<4194304xi32, #tpu.memory_space<hbm>>
    tpu.wait_indirect_dma semaphore(%arg17 : memref<!tpu.dma_semaphore, #tpu.memory_space<semaphore_mem>>) src(%dma_wait3A_856 : memref<4194304xi32, #tpu.memory_space<hbm>>) dst(%dma_wait3A_852 : memref<128xi32, #tpu.memory_space<vmem>>)
    %dma_wait3A_857 = arith.constant 384 : i32
    %dma_wait3A_858 = tpu.memref_slice %arg15[%dma_wait3A_857] : memref<512xi32, #tpu.memory_space<vmem>> -> memref<128xi32, #tpu.memory_space<vmem>>
    %dma_wait3A_859 = arith.constant 384 : i32
    %dma_wait3A_860 = tpu.memref_slice %arg11[%dma_wait3A_859] : memref<512xi32, #tpu.memory_space<vmem>> -> memref<128xi32, #tpu.memory_space<vmem>>
    %dma_wait3A_861 = arith.constant 0 : i32
    %dma_wait3A_862 = tpu.memref_slice %arg7[%dma_wait3A_861] : memref<4194304xi32, #tpu.memory_space<hbm>> -> memref<4194304xi32, #tpu.memory_space<hbm>>
    tpu.wait_indirect_dma semaphore(%arg17 : memref<!tpu.dma_semaphore, #tpu.memory_space<semaphore_mem>>) src(%dma_wait3A_862 : memref<4194304xi32, #tpu.memory_space<hbm>>) dst(%dma_wait3A_858 : memref<128xi32, #tpu.memory_space<vmem>>)
    %iota3A = tpu.iota {dimensions = array<i32: 0>} : vector<16xi32>
    %scan3A = arith.constant 0x7F800000 : f32
    %scan3A_863 = arith.constant 6.250000e-02 : f32
    %scan3A_864 = arith.constant 0 : i32
    %scan3A_865 = arith.constant 0 : i32
    %scan3A_866 = arith.constant 32 : i32
    %scan3A_867 = arith.addi %scan3A_865, %scan3A_866 : i32
    %scan3A_868 = arith.constant 1 : i32
    %scan3A_869 = scf.for %scan3A_875 = %scan3A_865 to %scan3A_867 step %scan3A_868 iter_args(%scan3A_876 = %scan3A_864) -> (i32)  : i32 {
      %mul3A_877 = arith.constant 16 : i32
      %mul3A_878 = arith.muli %scan3A_875, %mul3A_877 : i32
      %get3A_879 = arith.index_cast %mul3A_878 : i32 to index
      %get3A_880 = tpu.vector_load %arg9[%get3A_879] {strides = array<i32>} : memref<512xf32, #tpu.memory_space<vmem>>, vector<16xf32>,
      %get3A_881 = vector.shape_cast %get3A_880 : vector<16xf32> to vector<16xf32>
      %get3A_882 = arith.index_cast %mul3A_878 : i32 to index
      %get3A_883 = tpu.vector_load %arg12[%get3A_882] {strides = array<i32>} : memref<512xf32, #tpu.memory_space<vmem>>, vector<16xf32>,
      %get3A_884 = vector.shape_cast %get3A_883 : vector<16xf32> to vector<16xf32>
      %get3A_885 = arith.index_cast %mul3A_878 : i32 to index
      %get3A_886 = tpu.vector_load %arg14[%get3A_885] {strides = array<i32>} : memref<512xf32, #tpu.memory_space<vmem>>, vector<16xf32>,
      %get3A_887 = vector.shape_cast %get3A_886 : vector<16xf32> to vector<16xf32>
      %get3A_888 = arith.index_cast %mul3A_878 : i32 to index
      %get3A_889 = tpu.vector_load %arg10[%get3A_888] {strides = array<i32>} : memref<512xi32, #tpu.memory_space<vmem>>, vector<16xi32>,
      %get3A_890 = vector.shape_cast %get3A_889 : vector<16xi32> to vector<16xi32>
      %get3A_891 = arith.index_cast %mul3A_878 : i32 to index
      %get3A_892 = tpu.vector_load %arg13[%get3A_891] {strides = array<i32>} : memref<512xi32, #tpu.memory_space<vmem>>, vector<16xi32>,
      %get3A_893 = vector.shape_cast %get3A_892 : vector<16xi32> to vector<16xi32>
      %get3A_894 = arith.index_cast %mul3A_878 : i32 to index
      %get3A_895 = tpu.vector_load %arg15[%get3A_894] {strides = array<i32>} : memref<512xi32, #tpu.memory_space<vmem>>, vector<16xi32>,
      %get3A_896 = vector.shape_cast %get3A_895 : vector<16xi32> to vector<16xi32>
      %broadcast_in_dim3A = arith.constant 0.000000e+00 : f32
      %broadcast_in_dim3A_897 = vector.broadcast %broadcast_in_dim3A : f32 to vector<16xf32>
      %broadcast_in_dim3A_898 = arith.constant 0.000000e+00 : f32
      %broadcast_in_dim3A_899 = vector.broadcast %broadcast_in_dim3A_898 : f32 to vector<16xf32>
      %broadcast_in_dim3A_900 = arith.constant 0.000000e+00 : f32
      %broadcast_in_dim3A_901 = vector.broadcast %broadcast_in_dim3A_900 : f32 to vector<16xf32>
      %broadcast_in_dim3A_902 = arith.constant 0.000000e+00 : f32
      %broadcast_in_dim3A_903 = vector.broadcast %broadcast_in_dim3A_902 : f32 to vector<16xf32>
      %broadcast_in_dim3A_904 = arith.constant 0.000000e+00 : f32
      %broadcast_in_dim3A_905 = vector.broadcast %broadcast_in_dim3A_904 : f32 to vector<16xf32>
      %broadcast_in_dim3A_906 = arith.constant 0.000000e+00 : f32
      %broadcast_in_dim3A_907 = vector.broadcast %broadcast_in_dim3A_906 : f32 to vector<16xf32>
      %broadcast_in_dim3A_908 = arith.constant 0.000000e+00 : f32
      %broadcast_in_dim3A_909 = vector.broadcast %broadcast_in_dim3A_908 : f32 to vector<16xf32>
      %broadcast_in_dim3A_910 = arith.constant 0.000000e+00 : f32
      %broadcast_in_dim3A_911 = vector.broadcast %broadcast_in_dim3A_910 : f32 to vector<16xf32>
      %scan3A_912 = arith.constant 0 : i32
      %scan3A_913 = arith.constant 16 : i32
      %scan3A_914 = arith.addi %scan3A_912, %scan3A_913 : i32
      %scan3A_915 = arith.constant 1 : i32
      %scan3A_916:11 = scf.for %scan3A_999 = %scan3A_912 to %scan3A_914 step %scan3A_915 iter_args(%scan3A_1000 = %get3A_881, %scan3A_1001 = %get3A_884, %scan3A_1002 = %get3A_887, %scan3A_1003 = %broadcast_in_dim3A_897, %scan3A_1004 = %broadcast_in_dim3A_899, %scan3A_1005 = %broadcast_in_dim3A_901, %scan3A_1006 = %broadcast_in_dim3A_903, %scan3A_1007 = %broadcast_in_dim3A_905, %scan3A_1008 = %broadcast_in_dim3A_907, %scan3A_1009 = %broadcast_in_dim3A_909, %scan3A_1010 = %broadcast_in_dim3A_911) -> (vector<16xf32>, vector<16xf32>, vector<16xf32>, vector<16xf32>, vector<16xf32>, vector<16xf32>, vector<16xf32>, vector<16xf32>, vector<16xf32>, vector<16xf32>, vector<16xf32>)  : i32 {
        %lt3A = arith.cmpf olt, %scan3A_1000, %scan3A_1001 : vector<16xf32>
        %eq3A = arith.cmpf oeq, %scan3A_1000, %scan3A_1001 : vector<16xf32>
        %lt3A_1011 = arith.cmpi slt, %get3A_890, %get3A_893 : vector<16xi32>
        %and3A_1012 = arith.andi %eq3A, %lt3A_1011 : vector<16xi1>
        %or3A = arith.ori %lt3A, %and3A_1012 : vector<16xi1>
        %select_n3A = arith.select %or3A, %scan3A_1000, %scan3A_1001 : vector<16xi1>, vector<16xf32>
        %select_n3A_1013 = arith.select %or3A, %get3A_890, %get3A_893 : vector<16xi1>, vector<16xi32>
        %lt3A_1014 = arith.cmpf olt, %select_n3A, %scan3A_1002 : vector<16xf32>
        %eq3A_1015 = arith.cmpf oeq, %select_n3A, %scan3A_1002 : vector<16xf32>
        %lt3A_1016 = arith.cmpi slt, %select_n3A_1013, %get3A_896 : vector<16xi32>
        %and3A_1017 = arith.andi %eq3A_1015, %lt3A_1016 : vector<16xi1>
        %or3A_1018 = arith.ori %lt3A_1014, %and3A_1017 : vector<16xi1>
        %select_n3A_1019 = arith.select %or3A_1018, %select_n3A, %scan3A_1002 : vector<16xi1>, vector<16xf32>
        %select_n3A_1020 = arith.select %or3A_1018, %select_n3A_1013, %get3A_896 : vector<16xi1>, vector<16xi32>
        %xor3A = arith.constant 8 : i32
        %xor3A_1021 = vector.broadcast %xor3A : i32 to vector<16xi32>
        %xor3A_1022 = arith.xori %iota3A, %xor3A_1021 : vector<16xi32>
        %lt3A_1023 = arith.constant 0 : i32
        %lt3A_1024 = vector.broadcast %lt3A_1023 : i32 to vector<16xi32>
        %lt3A_1025 = arith.cmpi slt, %xor3A_1022, %lt3A_1024 : vector<16xi32>
        %add3A_1026 = arith.constant 16 : i32
        %add3A_1027 = vector.broadcast %add3A_1026 : i32 to vector<16xi32>
        %add3A_1028 = arith.addi %xor3A_1022, %add3A_1027 : vector<16xi32>
        %select_n3A_1029 = arith.select %lt3A_1025, %add3A_1028, %xor3A_1022 : vector<16xi1>, vector<16xi32>
        %broadcast_in_dim3A_1030 = vector.shape_cast %select_n3A_1029 : vector<16xi32> to vector<16x1xi32>
        %gather3A = vector.shape_cast %broadcast_in_dim3A_1030 : vector<16x1xi32> to vector<16xi32>
        %gather3A_1031 = tpu.dynamic_gather %select_n3A_1019[%gather3A] in [0] : vector<16xf32>, vector<16xi32> -> vector<16xf32>
        %lt3A_1032 = arith.constant 0 : i32
        %lt3A_1033 = vector.broadcast %lt3A_1032 : i32 to vector<16xi32>
        %lt3A_1034 = arith.cmpi slt, %xor3A_1022, %lt3A_1033 : vector<16xi32>
        %add3A_1035 = arith.constant 16 : i32
        %add3A_1036 = vector.broadcast %add3A_1035 : i32 to vector<16xi32>
        %add3A_1037 = arith.addi %xor3A_1022, %add3A_1036 : vector<16xi32>
        %select_n3A_1038 = arith.select %lt3A_1034, %add3A_1037, %xor3A_1022 : vector<16xi1>, vector<16xi32>
        %broadcast_in_dim3A_1039 = vector.shape_cast %select_n3A_1038 : vector<16xi32> to vector<16x1xi32>
        %gather3A_1040 = vector.shape_cast %broadcast_in_dim3A_1039 : vector<16x1xi32> to vector<16xi32>
        %gather3A_1041 = tpu.dynamic_gather %select_n3A_1020[%gather3A_1040] in [0] : vector<16xi32>, vector<16xi32> -> vector<16xi32>
        %lt3A_1042 = arith.cmpf olt, %select_n3A_1019, %gather3A_1031 : vector<16xf32>
        %eq3A_1043 = arith.cmpf oeq, %select_n3A_1019, %gather3A_1031 : vector<16xf32>
        %lt3A_1044 = arith.cmpi slt, %select_n3A_1020, %gather3A_1041 : vector<16xi32>
        %and3A_1045 = arith.andi %eq3A_1043, %lt3A_1044 : vector<16xi1>
        %or3A_1046 = arith.ori %lt3A_1042, %and3A_1045 : vector<16xi1>
        %select_n3A_1047 = arith.select %or3A_1046, %select_n3A_1019, %gather3A_1031 : vector<16xi1>, vector<16xf32>
        %select_n3A_1048 = arith.select %or3A_1046, %select_n3A_1020, %gather3A_1041 : vector<16xi1>, vector<16xi32>
        %xor3A_1049 = arith.constant 4 : i32
        %xor3A_1050 = vector.broadcast %xor3A_1049 : i32 to vector<16xi32>
        %xor3A_1051 = arith.xori %iota3A, %xor3A_1050 : vector<16xi32>
        %lt3A_1052 = arith.constant 0 : i32
        %lt3A_1053 = vector.broadcast %lt3A_1052 : i32 to vector<16xi32>
        %lt3A_1054 = arith.cmpi slt, %xor3A_1051, %lt3A_1053 : vector<16xi32>
        %add3A_1055 = arith.constant 16 : i32
        %add3A_1056 = vector.broadcast %add3A_1055 : i32 to vector<16xi32>
        %add3A_1057 = arith.addi %xor3A_1051, %add3A_1056 : vector<16xi32>
        %select_n3A_1058 = arith.select %lt3A_1054, %add3A_1057, %xor3A_1051 : vector<16xi1>, vector<16xi32>
        %broadcast_in_dim3A_1059 = vector.shape_cast %select_n3A_1058 : vector<16xi32> to vector<16x1xi32>
        %gather3A_1060 = vector.shape_cast %broadcast_in_dim3A_1059 : vector<16x1xi32> to vector<16xi32>
        %gather3A_1061 = tpu.dynamic_gather %select_n3A_1047[%gather3A_1060] in [0] : vector<16xf32>, vector<16xi32> -> vector<16xf32>
        %lt3A_1062 = arith.constant 0 : i32
        %lt3A_1063 = vector.broadcast %lt3A_1062 : i32 to vector<16xi32>
        %lt3A_1064 = arith.cmpi slt, %xor3A_1051, %lt3A_1063 : vector<16xi32>
        %add3A_1065 = arith.constant 16 : i32
        %add3A_1066 = vector.broadcast %add3A_1065 : i32 to vector<16xi32>
        %add3A_1067 = arith.addi %xor3A_1051, %add3A_1066 : vector<16xi32>
        %select_n3A_1068 = arith.select %lt3A_1064, %add3A_1067, %xor3A_1051 : vector<16xi1>, vector<16xi32>
        %broadcast_in_dim3A_1069 = vector.shape_cast %select_n3A_1068 : vector<16xi32> to vector<16x1xi32>
        %gather3A_1070 = vector.shape_cast %broadcast_in_dim3A_1069 : vector<16x1xi32> to vector<16xi32>
        %gather3A_1071 = tpu.dynamic_gather %select_n3A_1048[%gather3A_1070] in [0] : vector<16xi32>, vector<16xi32> -> vector<16xi32>
        %lt3A_1072 = arith.cmpf olt, %select_n3A_1047, %gather3A_1061 : vector<16xf32>
        %eq3A_1073 = arith.cmpf oeq, %select_n3A_1047, %gather3A_1061 : vector<16xf32>
        %lt3A_1074 = arith.cmpi slt, %select_n3A_1048, %gather3A_1071 : vector<16xi32>
        %and3A_1075 = arith.andi %eq3A_1073, %lt3A_1074 : vector<16xi1>
        %or3A_1076 = arith.ori %lt3A_1072, %and3A_1075 : vector<16xi1>
        %select_n3A_1077 = arith.select %or3A_1076, %select_n3A_1047, %gather3A_1061 : vector<16xi1>, vector<16xf32>
        %select_n3A_1078 = arith.select %or3A_1076, %select_n3A_1048, %gather3A_1071 : vector<16xi1>, vector<16xi32>
        %xor3A_1079 = arith.constant 2 : i32
        %xor3A_1080 = vector.broadcast %xor3A_1079 : i32 to vector<16xi32>
        %xor3A_1081 = arith.xori %iota3A, %xor3A_1080 : vector<16xi32>
        %lt3A_1082 = arith.constant 0 : i32
        %lt3A_1083 = vector.broadcast %lt3A_1082 : i32 to vector<16xi32>
        %lt3A_1084 = arith.cmpi slt, %xor3A_1081, %lt3A_1083 : vector<16xi32>
        %add3A_1085 = arith.constant 16 : i32
        %add3A_1086 = vector.broadcast %add3A_1085 : i32 to vector<16xi32>
        %add3A_1087 = arith.addi %xor3A_1081, %add3A_1086 : vector<16xi32>
        %select_n3A_1088 = arith.select %lt3A_1084, %add3A_1087, %xor3A_1081 : vector<16xi1>, vector<16xi32>
        %broadcast_in_dim3A_1089 = vector.shape_cast %select_n3A_1088 : vector<16xi32> to vector<16x1xi32>
        %gather3A_1090 = vector.shape_cast %broadcast_in_dim3A_1089 : vector<16x1xi32> to vector<16xi32>
        %gather3A_1091 = tpu.dynamic_gather %select_n3A_1077[%gather3A_1090] in [0] : vector<16xf32>, vector<16xi32> -> vector<16xf32>
        %lt3A_1092 = arith.constant 0 : i32
        %lt3A_1093 = vector.broadcast %lt3A_1092 : i32 to vector<16xi32>
        %lt3A_1094 = arith.cmpi slt, %xor3A_1081, %lt3A_1093 : vector<16xi32>
        %add3A_1095 = arith.constant 16 : i32
        %add3A_1096 = vector.broadcast %add3A_1095 : i32 to vector<16xi32>
        %add3A_1097 = arith.addi %xor3A_1081, %add3A_1096 : vector<16xi32>
        %select_n3A_1098 = arith.select %lt3A_1094, %add3A_1097, %xor3A_1081 : vector<16xi1>, vector<16xi32>
        %broadcast_in_dim3A_1099 = vector.shape_cast %select_n3A_1098 : vector<16xi32> to vector<16x1xi32>
        %gather3A_1100 = vector.shape_cast %broadcast_in_dim3A_1099 : vector<16x1xi32> to vector<16xi32>
        %gather3A_1101 = tpu.dynamic_gather %select_n3A_1078[%gather3A_1100] in [0] : vector<16xi32>, vector<16xi32> -> vector<16xi32>
        %lt3A_1102 = arith.cmpf olt, %select_n3A_1077, %gather3A_1091 : vector<16xf32>
        %eq3A_1103 = arith.cmpf oeq, %select_n3A_1077, %gather3A_1091 : vector<16xf32>
        %lt3A_1104 = arith.cmpi slt, %select_n3A_1078, %gather3A_1101 : vector<16xi32>
        %and3A_1105 = arith.andi %eq3A_1103, %lt3A_1104 : vector<16xi1>
        %or3A_1106 = arith.ori %lt3A_1102, %and3A_1105 : vector<16xi1>
        %select_n3A_1107 = arith.select %or3A_1106, %select_n3A_1077, %gather3A_1091 : vector<16xi1>, vector<16xf32>
        %select_n3A_1108 = arith.select %or3A_1106, %select_n3A_1078, %gather3A_1101 : vector<16xi1>, vector<16xi32>
        %xor3A_1109 = arith.constant 1 : i32
        %xor3A_1110 = vector.broadcast %xor3A_1109 : i32 to vector<16xi32>
        %xor3A_1111 = arith.xori %iota3A, %xor3A_1110 : vector<16xi32>
        %lt3A_1112 = arith.constant 0 : i32
        %lt3A_1113 = vector.broadcast %lt3A_1112 : i32 to vector<16xi32>
        %lt3A_1114 = arith.cmpi slt, %xor3A_1111, %lt3A_1113 : vector<16xi32>
        %add3A_1115 = arith.constant 16 : i32
        %add3A_1116 = vector.broadcast %add3A_1115 : i32 to vector<16xi32>
        %add3A_1117 = arith.addi %xor3A_1111, %add3A_1116 : vector<16xi32>
        %select_n3A_1118 = arith.select %lt3A_1114, %add3A_1117, %xor3A_1111 : vector<16xi1>, vector<16xi32>
        %broadcast_in_dim3A_1119 = vector.shape_cast %select_n3A_1118 : vector<16xi32> to vector<16x1xi32>
        %gather3A_1120 = vector.shape_cast %broadcast_in_dim3A_1119 : vector<16x1xi32> to vector<16xi32>
        %gather3A_1121 = tpu.dynamic_gather %select_n3A_1107[%gather3A_1120] in [0] : vector<16xf32>, vector<16xi32> -> vector<16xf32>
        %lt3A_1122 = arith.constant 0 : i32
        %lt3A_1123 = vector.broadcast %lt3A_1122 : i32 to vector<16xi32>
        %lt3A_1124 = arith.cmpi slt, %xor3A_1111, %lt3A_1123 : vector<16xi32>
        %add3A_1125 = arith.constant 16 : i32
        %add3A_1126 = vector.broadcast %add3A_1125 : i32 to vector<16xi32>
        %add3A_1127 = arith.addi %xor3A_1111, %add3A_1126 : vector<16xi32>
        %select_n3A_1128 = arith.select %lt3A_1124, %add3A_1127, %xor3A_1111 : vector<16xi1>, vector<16xi32>
        %broadcast_in_dim3A_1129 = vector.shape_cast %select_n3A_1128 : vector<16xi32> to vector<16x1xi32>
        %gather3A_1130 = vector.shape_cast %broadcast_in_dim3A_1129 : vector<16x1xi32> to vector<16xi32>
        %gather3A_1131 = tpu.dynamic_gather %select_n3A_1108[%gather3A_1130] in [0] : vector<16xi32>, vector<16xi32> -> vector<16xi32>
        %lt3A_1132 = arith.cmpf olt, %select_n3A_1107, %gather3A_1121 : vector<16xf32>
        %eq3A_1133 = arith.cmpf oeq, %select_n3A_1107, %gather3A_1121 : vector<16xf32>
        %lt3A_1134 = arith.cmpi slt, %select_n3A_1108, %gather3A_1131 : vector<16xi32>
        %and3A_1135 = arith.andi %eq3A_1133, %lt3A_1134 : vector<16xi1>
        %or3A_1136 = arith.ori %lt3A_1132, %and3A_1135 : vector<16xi1>
        %select_n3A_1137 = arith.select %or3A_1136, %select_n3A_1107, %gather3A_1121 : vector<16xi1>, vector<16xf32>
        %select_n3A_1138 = arith.select %or3A_1136, %select_n3A_1108, %gather3A_1131 : vector<16xi1>, vector<16xi32>
        %and3A_1139 = arith.constant 127 : i32
        %and3A_1140 = vector.broadcast %and3A_1139 : i32 to vector<16xi32>
        %and3A_1141 = arith.andi %select_n3A_1138, %and3A_1140 : vector<16xi32>
        %eq3A_1142 = arith.cmpi eq, %get3A_890, %select_n3A_1138 : vector<16xi32>
        %broadcast_in_dim3A_1143 = vector.broadcast %scan3A : f32 to vector<16xf32>
        %select_n3A_1144 = arith.select %eq3A_1142, %broadcast_in_dim3A_1143, %scan3A_1000 : vector<16xi1>, vector<16xf32>
        %eq3A_1145 = arith.cmpi eq, %get3A_893, %select_n3A_1138 : vector<16xi32>
        %broadcast_in_dim3A_1146 = vector.broadcast %scan3A : f32 to vector<16xf32>
        %select_n3A_1147 = arith.select %eq3A_1145, %broadcast_in_dim3A_1146, %scan3A_1001 : vector<16xi1>, vector<16xf32>
        %eq3A_1148 = arith.cmpi eq, %get3A_896, %select_n3A_1138 : vector<16xi32>
        %broadcast_in_dim3A_1149 = vector.broadcast %scan3A : f32 to vector<16xf32>
        %select_n3A_1150 = arith.select %eq3A_1148, %broadcast_in_dim3A_1149, %scan3A_1002 : vector<16xi1>, vector<16xf32>
        %add3A_1151 = arith.constant 0 : i32
        %add3A_1152 = vector.broadcast %add3A_1151 : i32 to vector<16xi32>
        %add3A_1153 = arith.addi %iota3A, %add3A_1152 : vector<16xi32>
        %eq3A_1154 = arith.cmpi eq, %add3A_1153, %and3A_1141 : vector<16xi32>
        %jit3A = arith.constant 1.000000e+00 : f32
        %jit3A_1155 = arith.constant 0.000000e+00 : f32
        %broadcast_in_dim3A_1156 = vector.broadcast %jit3A : f32 to vector<16xf32>
        %broadcast_in_dim3A_1157 = vector.broadcast %jit3A_1155 : f32 to vector<16xf32>
        %select_n3A_1158 = arith.select %eq3A_1154, %broadcast_in_dim3A_1156, %broadcast_in_dim3A_1157 : vector<16xi1>, vector<16xf32>
        %add3A_1159 = arith.addf %scan3A_1003, %select_n3A_1158 : vector<16xf32>
        %add3A_1160 = arith.constant 16 : i32
        %add3A_1161 = vector.broadcast %add3A_1160 : i32 to vector<16xi32>
        %add3A_1162 = arith.addi %iota3A, %add3A_1161 : vector<16xi32>
        %eq3A_1163 = arith.cmpi eq, %add3A_1162, %and3A_1141 : vector<16xi32>
        %jit3A_1164 = arith.constant 1.000000e+00 : f32
        %jit3A_1165 = arith.constant 0.000000e+00 : f32
        %broadcast_in_dim3A_1166 = vector.broadcast %jit3A_1164 : f32 to vector<16xf32>
        %broadcast_in_dim3A_1167 = vector.broadcast %jit3A_1165 : f32 to vector<16xf32>
        %select_n3A_1168 = arith.select %eq3A_1163, %broadcast_in_dim3A_1166, %broadcast_in_dim3A_1167 : vector<16xi1>, vector<16xf32>
        %add3A_1169 = arith.addf %scan3A_1004, %select_n3A_1168 : vector<16xf32>
        %add3A_1170 = arith.constant 32 : i32
        %add3A_1171 = vector.broadcast %add3A_1170 : i32 to vector<16xi32>
        %add3A_1172 = arith.addi %iota3A, %add3A_1171 : vector<16xi32>
        %eq3A_1173 = arith.cmpi eq, %add3A_1172, %and3A_1141 : vector<16xi32>
        %jit3A_1174 = arith.constant 1.000000e+00 : f32
        %jit3A_1175 = arith.constant 0.000000e+00 : f32
        %broadcast_in_dim3A_1176 = vector.broadcast %jit3A_1174 : f32 to vector<16xf32>
        %broadcast_in_dim3A_1177 = vector.broadcast %jit3A_1175 : f32 to vector<16xf32>
        %select_n3A_1178 = arith.select %eq3A_1173, %broadcast_in_dim3A_1176, %broadcast_in_dim3A_1177 : vector<16xi1>, vector<16xf32>
        %add3A_1179 = arith.addf %scan3A_1005, %select_n3A_1178 : vector<16xf32>
        %add3A_1180 = arith.constant 48 : i32
        %add3A_1181 = vector.broadcast %add3A_1180 : i32 to vector<16xi32>
        %add3A_1182 = arith.addi %iota3A, %add3A_1181 : vector<16xi32>
        %eq3A_1183 = arith.cmpi eq, %add3A_1182, %and3A_1141 : vector<16xi32>
        %jit3A_1184 = arith.constant 1.000000e+00 : f32
        %jit3A_1185 = arith.constant 0.000000e+00 : f32
        %broadcast_in_dim3A_1186 = vector.broadcast %jit3A_1184 : f32 to vector<16xf32>
        %broadcast_in_dim3A_1187 = vector.broadcast %jit3A_1185 : f32 to vector<16xf32>
        %select_n3A_1188 = arith.select %eq3A_1183, %broadcast_in_dim3A_1186, %broadcast_in_dim3A_1187 : vector<16xi1>, vector<16xf32>
        %add3A_1189 = arith.addf %scan3A_1006, %select_n3A_1188 : vector<16xf32>
        %add3A_1190 = arith.constant 64 : i32
        %add3A_1191 = vector.broadcast %add3A_1190 : i32 to vector<16xi32>
        %add3A_1192 = arith.addi %iota3A, %add3A_1191 : vector<16xi32>
        %eq3A_1193 = arith.cmpi eq, %add3A_1192, %and3A_1141 : vector<16xi32>
        %jit3A_1194 = arith.constant 1.000000e+00 : f32
        %jit3A_1195 = arith.constant 0.000000e+00 : f32
        %broadcast_in_dim3A_1196 = vector.broadcast %jit3A_1194 : f32 to vector<16xf32>
        %broadcast_in_dim3A_1197 = vector.broadcast %jit3A_1195 : f32 to vector<16xf32>
        %select_n3A_1198 = arith.select %eq3A_1193, %broadcast_in_dim3A_1196, %broadcast_in_dim3A_1197 : vector<16xi1>, vector<16xf32>
        %add3A_1199 = arith.addf %scan3A_1007, %select_n3A_1198 : vector<16xf32>
        %add3A_1200 = arith.constant 80 : i32
        %add3A_1201 = vector.broadcast %add3A_1200 : i32 to vector<16xi32>
        %add3A_1202 = arith.addi %iota3A, %add3A_1201 : vector<16xi32>
        %eq3A_1203 = arith.cmpi eq, %add3A_1202, %and3A_1141 : vector<16xi32>
        %jit3A_1204 = arith.constant 1.000000e+00 : f32
        %jit3A_1205 = arith.constant 0.000000e+00 : f32
        %broadcast_in_dim3A_1206 = vector.broadcast %jit3A_1204 : f32 to vector<16xf32>
        %broadcast_in_dim3A_1207 = vector.broadcast %jit3A_1205 : f32 to vector<16xf32>
        %select_n3A_1208 = arith.select %eq3A_1203, %broadcast_in_dim3A_1206, %broadcast_in_dim3A_1207 : vector<16xi1>, vector<16xf32>
        %add3A_1209 = arith.addf %scan3A_1008, %select_n3A_1208 : vector<16xf32>
        %add3A_1210 = arith.constant 96 : i32
        %add3A_1211 = vector.broadcast %add3A_1210 : i32 to vector<16xi32>
        %add3A_1212 = arith.addi %iota3A, %add3A_1211 : vector<16xi32>
        %eq3A_1213 = arith.cmpi eq, %add3A_1212, %and3A_1141 : vector<16xi32>
        %jit3A_1214 = arith.constant 1.000000e+00 : f32
        %jit3A_1215 = arith.constant 0.000000e+00 : f32
        %broadcast_in_dim3A_1216 = vector.broadcast %jit3A_1214 : f32 to vector<16xf32>
        %broadcast_in_dim3A_1217 = vector.broadcast %jit3A_1215 : f32 to vector<16xf32>
        %select_n3A_1218 = arith.select %eq3A_1213, %broadcast_in_dim3A_1216, %broadcast_in_dim3A_1217 : vector<16xi1>, vector<16xf32>
        %add3A_1219 = arith.addf %scan3A_1009, %select_n3A_1218 : vector<16xf32>
        %add3A_1220 = arith.constant 112 : i32
        %add3A_1221 = vector.broadcast %add3A_1220 : i32 to vector<16xi32>
        %add3A_1222 = arith.addi %iota3A, %add3A_1221 : vector<16xi32>
        %eq3A_1223 = arith.cmpi eq, %add3A_1222, %and3A_1141 : vector<16xi32>
        %jit3A_1224 = arith.constant 1.000000e+00 : f32
        %jit3A_1225 = arith.constant 0.000000e+00 : f32
        %broadcast_in_dim3A_1226 = vector.broadcast %jit3A_1224 : f32 to vector<16xf32>
        %broadcast_in_dim3A_1227 = vector.broadcast %jit3A_1225 : f32 to vector<16xf32>
        %select_n3A_1228 = arith.select %eq3A_1223, %broadcast_in_dim3A_1226, %broadcast_in_dim3A_1227 : vector<16xi1>, vector<16xf32>
        %add3A_1229 = arith.addf %scan3A_1010, %select_n3A_1228 : vector<16xf32>
        scf.yield %select_n3A_1144, %select_n3A_1147, %select_n3A_1150, %add3A_1159, %add3A_1169, %add3A_1179, %add3A_1189, %add3A_1199, %add3A_1209, %add3A_1219, %add3A_1229 : vector<16xf32>, vector<16xf32>, vector<16xf32>, vector<16xf32>, vector<16xf32>, vector<16xf32>, vector<16xf32>, vector<16xf32>, vector<16xf32>, vector<16xf32>, vector<16xf32>
      }
      %scan3A_917 = arith.constant 16 : i32
      %mul3A_918 = vector.broadcast %scan3A_863 : f32 to vector<16xf32>
      %mul3A_919 = arith.mulf %scan3A_916#3, %mul3A_918 : vector<16xf32>
      %mul3A_920 = arith.constant 128 : i32
      %mul3A_921 = arith.muli %scan3A_875, %mul3A_920 : i32
      %add3A_922 = arith.constant 0 : i32
      %add3A_923 = arith.addi %mul3A_921, %add3A_922 : i32
      %swap3A_924 = arith.index_cast %add3A_923 : i32 to index
      %swap3A_925 = tpu.vector_load %arg16[%swap3A_924] {strides = array<i32>} : memref<4096xf32, #tpu.memory_space<vmem>>, vector<16xf32>,
      %swap3A_926 = vector.shape_cast %swap3A_925 : vector<16xf32> to vector<16xf32>
      %swap3A_927 = vector.shape_cast %mul3A_919 : vector<16xf32> to vector<16xf32>
      tpu.vector_store %arg16[%swap3A_924], %swap3A_927 {strides = array<i32>} : memref<4096xf32, #tpu.memory_space<vmem>>, vector<16xf32>,
      %mul3A_928 = vector.broadcast %scan3A_863 : f32 to vector<16xf32>
      %mul3A_929 = arith.mulf %scan3A_916#4, %mul3A_928 : vector<16xf32>
      %mul3A_930 = arith.constant 128 : i32
      %mul3A_931 = arith.muli %scan3A_875, %mul3A_930 : i32
      %add3A_932 = arith.constant 16 : i32
      %add3A_933 = arith.addi %mul3A_931, %add3A_932 : i32
      %swap3A_934 = arith.index_cast %add3A_933 : i32 to index
      %swap3A_935 = tpu.vector_load %arg16[%swap3A_934] {strides = array<i32>} : memref<4096xf32, #tpu.memory_space<vmem>>, vector<16xf32>,
      %swap3A_936 = vector.shape_cast %swap3A_935 : vector<16xf32> to vector<16xf32>
      %swap3A_937 = vector.shape_cast %mul3A_929 : vector<16xf32> to vector<16xf32>
      tpu.vector_store %arg16[%swap3A_934], %swap3A_937 {strides = array<i32>} : memref<4096xf32, #tpu.memory_space<vmem>>, vector<16xf32>,
      %mul3A_938 = vector.broadcast %scan3A_863 : f32 to vector<16xf32>
      %mul3A_939 = arith.mulf %scan3A_916#5, %mul3A_938 : vector<16xf32>
      %mul3A_940 = arith.constant 128 : i32
      %mul3A_941 = arith.muli %scan3A_875, %mul3A_940 : i32
      %add3A_942 = arith.constant 32 : i32
      %add3A_943 = arith.addi %mul3A_941, %add3A_942 : i32
      %swap3A_944 = arith.index_cast %add3A_943 : i32 to index
      %swap3A_945 = tpu.vector_load %arg16[%swap3A_944] {strides = array<i32>} : memref<4096xf32, #tpu.memory_space<vmem>>, vector<16xf32>,
      %swap3A_946 = vector.shape_cast %swap3A_945 : vector<16xf32> to vector<16xf32>
      %swap3A_947 = vector.shape_cast %mul3A_939 : vector<16xf32> to vector<16xf32>
      tpu.vector_store %arg16[%swap3A_944], %swap3A_947 {strides = array<i32>} : memref<4096xf32, #tpu.memory_space<vmem>>, vector<16xf32>,
      %mul3A_948 = vector.broadcast %scan3A_863 : f32 to vector<16xf32>
      %mul3A_949 = arith.mulf %scan3A_916#6, %mul3A_948 : vector<16xf32>
      %mul3A_950 = arith.constant 128 : i32
      %mul3A_951 = arith.muli %scan3A_875, %mul3A_950 : i32
      %add3A_952 = arith.constant 48 : i32
      %add3A_953 = arith.addi %mul3A_951, %add3A_952 : i32
      %swap3A_954 = arith.index_cast %add3A_953 : i32 to index
      %swap3A_955 = tpu.vector_load %arg16[%swap3A_954] {strides = array<i32>} : memref<4096xf32, #tpu.memory_space<vmem>>, vector<16xf32>,
      %swap3A_956 = vector.shape_cast %swap3A_955 : vector<16xf32> to vector<16xf32>
      %swap3A_957 = vector.shape_cast %mul3A_949 : vector<16xf32> to vector<16xf32>
      tpu.vector_store %arg16[%swap3A_954], %swap3A_957 {strides = array<i32>} : memref<4096xf32, #tpu.memory_space<vmem>>, vector<16xf32>,
      %mul3A_958 = vector.broadcast %scan3A_863 : f32 to vector<16xf32>
      %mul3A_959 = arith.mulf %scan3A_916#7, %mul3A_958 : vector<16xf32>
      %mul3A_960 = arith.constant 128 : i32
      %mul3A_961 = arith.muli %scan3A_875, %mul3A_960 : i32
      %add3A_962 = arith.constant 64 : i32
      %add3A_963 = arith.addi %mul3A_961, %add3A_962 : i32
      %swap3A_964 = arith.index_cast %add3A_963 : i32 to index
      %swap3A_965 = tpu.vector_load %arg16[%swap3A_964] {strides = array<i32>} : memref<4096xf32, #tpu.memory_space<vmem>>, vector<16xf32>,
      %swap3A_966 = vector.shape_cast %swap3A_965 : vector<16xf32> to vector<16xf32>
      %swap3A_967 = vector.shape_cast %mul3A_959 : vector<16xf32> to vector<16xf32>
      tpu.vector_store %arg16[%swap3A_964], %swap3A_967 {strides = array<i32>} : memref<4096xf32, #tpu.memory_space<vmem>>, vector<16xf32>,
      %mul3A_968 = vector.broadcast %scan3A_863 : f32 to vector<16xf32>
      %mul3A_969 = arith.mulf %scan3A_916#8, %mul3A_968 : vector<16xf32>
      %mul3A_970 = arith.constant 128 : i32
      %mul3A_971 = arith.muli %scan3A_875, %mul3A_970 : i32
      %add3A_972 = arith.constant 80 : i32
      %add3A_973 = arith.addi %mul3A_971, %add3A_972 : i32
      %swap3A_974 = arith.index_cast %add3A_973 : i32 to index
      %swap3A_975 = tpu.vector_load %arg16[%swap3A_974] {strides = array<i32>} : memref<4096xf32, #tpu.memory_space<vmem>>, vector<16xf32>,
      %swap3A_976 = vector.shape_cast %swap3A_975 : vector<16xf32> to vector<16xf32>
      %swap3A_977 = vector.shape_cast %mul3A_969 : vector<16xf32> to vector<16xf32>
      tpu.vector_store %arg16[%swap3A_974], %swap3A_977 {strides = array<i32>} : memref<4096xf32, #tpu.memory_space<vmem>>, vector<16xf32>,
      %mul3A_978 = vector.broadcast %scan3A_863 : f32 to vector<16xf32>
      %mul3A_979 = arith.mulf %scan3A_916#9, %mul3A_978 : vector<16xf32>
      %mul3A_980 = arith.constant 128 : i32
      %mul3A_981 = arith.muli %scan3A_875, %mul3A_980 : i32
      %add3A_982 = arith.constant 96 : i32
      %add3A_983 = arith.addi %mul3A_981, %add3A_982 : i32
      %swap3A_984 = arith.index_cast %add3A_983 : i32 to index
      %swap3A_985 = tpu.vector_load %arg16[%swap3A_984] {strides = array<i32>} : memref<4096xf32, #tpu.memory_space<vmem>>, vector<16xf32>,
      %swap3A_986 = vector.shape_cast %swap3A_985 : vector<16xf32> to vector<16xf32>
      %swap3A_987 = vector.shape_cast %mul3A_979 : vector<16xf32> to vector<16xf32>
      tpu.vector_store %arg16[%swap3A_984], %swap3A_987 {strides = array<i32>} : memref<4096xf32, #tpu.memory_space<vmem>>, vector<16xf32>,
      %mul3A_988 = vector.broadcast %scan3A_863 : f32 to vector<16xf32>
      %mul3A_989 = arith.mulf %scan3A_916#10, %mul3A_988 : vector<16xf32>
      %mul3A_990 = arith.constant 128 : i32
      %mul3A_991 = arith.muli %scan3A_875, %mul3A_990 : i32
      %add3A_992 = arith.constant 112 : i32
      %add3A_993 = arith.addi %mul3A_991, %add3A_992 : i32
      %swap3A_994 = arith.index_cast %add3A_993 : i32 to index
      %swap3A_995 = tpu.vector_load %arg16[%swap3A_994] {strides = array<i32>} : memref<4096xf32, #tpu.memory_space<vmem>>, vector<16xf32>,
      %swap3A_996 = vector.shape_cast %swap3A_995 : vector<16xf32> to vector<16xf32>
      %swap3A_997 = vector.shape_cast %mul3A_989 : vector<16xf32> to vector<16xf32>
      tpu.vector_store %arg16[%swap3A_994], %swap3A_997 {strides = array<i32>} : memref<4096xf32, #tpu.memory_space<vmem>>, vector<16xf32>,
      %scan3A_998 = arith.constant 0 : i32
      scf.yield %scan3A_998 : i32
    }
    %scan3A_870 = arith.constant 32 : i32
    %mul3A_871 = arith.constant 32 : i32
    %mul3A_872 = arith.muli %add3A, %mul3A_871 : i32
    %mul3A_873 = arith.constant 128 : i32
    %mul3A_874 = arith.muli %mul3A_872, %mul3A_873 : i32
    "tpu.region"() ({
      %run_scoped3A = tpu.sem_alloc : memref<!tpu.dma_semaphore, #tpu.memory_space<semaphore_mem>>
      %dma_start3A_875 = tpu.memref_slice %arg8[%mul3A_874] : memref<131072xf32, #tpu.memory_space<hbm>> -> memref<4096xf32, #tpu.memory_space<hbm>>
      %dma_start3A_876 = tpu.memref_slice %arg8[%mul3A_874] : memref<131072xf32, #tpu.memory_space<hbm>> -> memref<4096xf32, #tpu.memory_space<hbm>>
      tpu.enqueue_dma source(%arg16 : memref<4096xf32, #tpu.memory_space<vmem>>) target(%dma_start3A_876 : memref<4096xf32, #tpu.memory_space<hbm>>) target_semaphore(%run_scoped3A : memref<!tpu.dma_semaphore, #tpu.memory_space<semaphore_mem>>)
      %dma_wait3A_877 = tpu.memref_slice %arg8[%mul3A_874] : memref<131072xf32, #tpu.memory_space<hbm>> -> memref<4096xf32, #tpu.memory_space<hbm>>
      %dma_wait3A_878 = tpu.memref_slice %arg8[%mul3A_874] : memref<131072xf32, #tpu.memory_space<hbm>> -> memref<4096xf32, #tpu.memory_space<hbm>>
      tpu.wait_dma2 semaphore(%run_scoped3A : memref<!tpu.dma_semaphore, #tpu.memory_space<semaphore_mem>>) src(%arg16 : memref<4096xf32, #tpu.memory_space<vmem>>) dst(%dma_wait3A_878 : memref<4096xf32, #tpu.memory_space<hbm>>)
      tpu.yield
    }) : () -> ()
    return
  }
}

module attributes {stable_mosaic.version = 14 : i64} {
  func.func @_knn_body(%arg0: i32, %arg1: i32, %arg2: memref<128x128xf32, #tpu.memory_space<vmem>>, %arg3: memref<4096x128xf32, #tpu.memory_space<vmem>>, %arg4: memref<1x4096xi32, #tpu.memory_space<vmem>>, %arg5: memref<128x1xf32, #tpu.memory_space<vmem>>, %arg6: memref<1x4096xf32, #tpu.memory_space<vmem>>, %arg7: memref<128x16xf32, #tpu.memory_space<vmem>>, %arg8: memref<128x16xi32, #tpu.memory_space<vmem>>, %arg9: memref<128x4096xf32, #tpu.memory_space<vmem>>, %arg10: memref<128x4096xf32, #tpu.memory_space<vmem>>, %arg11: memref<128x4096xi32, #tpu.memory_space<vmem>>, %arg12: memref<128x4096xi32, #tpu.memory_space<vmem>>, %arg13: memref<128x4096xf32, #tpu.memory_space<vmem>>, %arg14: memref<128x4096xf32, #tpu.memory_space<vmem>>, %arg15: memref<128x4096xf32, #tpu.memory_space<vmem>>, %arg16: memref<128x4096xi32, #tpu.memory_space<vmem>>, %arg17: memref<128x4096xi32, #tpu.memory_space<vmem>>, %arg18: memref<128x4096xi32, #tpu.memory_space<vmem>>) attributes {dimension_semantics = [#tpu.dimension_semantics<parallel>, #tpu.dimension_semantics<arbitrary>], iteration_bounds = array<i64: 8, 25>, scalar_prefetch = 0 : i64, scratch_operands = 6 : i64, tpu.core_type = #tpu.core_type<tc>, window_params = [{transform_indices = @transform_0, window_bounds = array<i64: 128, 128>}, {transform_indices = @transform_1, window_bounds = array<i64: 4096, 128>}, {transform_indices = @transform_2, window_bounds = array<i64: 1, 4096>}, {transform_indices = @transform_3, window_bounds = array<i64: 128, 1>}, {transform_indices = @transform_4, window_bounds = array<i64: 1, 4096>}, {transform_indices = @transform_5, window_bounds = array<i64: 128, 16>}, {transform_indices = @transform_6, window_bounds = array<i64: 128, 16>}, {transform_indices = @transform_7, window_bounds = array<i64: 128, 4096>}, {transform_indices = @transform_8, window_bounds = array<i64: 128, 4096>}, {transform_indices = @transform_9, window_bounds = array<i64: 128, 4096>}, {transform_indices = @transform_10, window_bounds = array<i64: 128, 4096>}]} {
    %eq3A = arith.constant 0 : i32
    %eq3A_0 = arith.cmpi eq, %arg1, %eq3A : i32
    %convert_element_type3A = arith.extui %eq3A_0 : i1 to i32
    %cond3A = arith.constant 0 : i32
    %cond3A_1 = arith.cmpi ne, %convert_element_type3A, %cond3A : i32
    scf.if %cond3A_1 {
      %broadcast_in_dim3A_90 = arith.constant 0x7F800000 : f32
      %broadcast_in_dim3A_91 = vector.broadcast %broadcast_in_dim3A_90 : f32 to vector<128x4096xf32>
      %swap3A_92 = arith.constant 0 : index
      %swap3A_93 = arith.constant 0 : index
      %swap3A_94 = vector.load %arg13[%swap3A_92, %swap3A_93] : memref<128x4096xf32, #tpu.memory_space<vmem>>, vector<128x4096xf32>
      tpu.vector_store %arg13[%swap3A_92, %swap3A_93], %broadcast_in_dim3A_91 {strides = array<i32>} : memref<128x4096xf32, #tpu.memory_space<vmem>>, vector<128x4096xf32>,
      %broadcast_in_dim3A_95 = arith.constant 0 : i32
      %broadcast_in_dim3A_96 = vector.broadcast %broadcast_in_dim3A_95 : i32 to vector<128x4096xi32>
      %swap3A_97 = arith.constant 0 : index
      %swap3A_98 = arith.constant 0 : index
      %swap3A_99 = vector.load %arg16[%swap3A_97, %swap3A_98] : memref<128x4096xi32, #tpu.memory_space<vmem>>, vector<128x4096xi32>
      tpu.vector_store %arg16[%swap3A_97, %swap3A_98], %broadcast_in_dim3A_96 {strides = array<i32>} : memref<128x4096xi32, #tpu.memory_space<vmem>>, vector<128x4096xi32>,
      %broadcast_in_dim3A_100 = arith.constant 0x7F800000 : f32
      %broadcast_in_dim3A_101 = vector.broadcast %broadcast_in_dim3A_100 : f32 to vector<128x4096xf32>
      %swap3A_102 = arith.constant 0 : index
      %swap3A_103 = arith.constant 0 : index
      %swap3A_104 = vector.load %arg14[%swap3A_102, %swap3A_103] : memref<128x4096xf32, #tpu.memory_space<vmem>>, vector<128x4096xf32>
      tpu.vector_store %arg14[%swap3A_102, %swap3A_103], %broadcast_in_dim3A_101 {strides = array<i32>} : memref<128x4096xf32, #tpu.memory_space<vmem>>, vector<128x4096xf32>,
      %broadcast_in_dim3A_105 = arith.constant 0 : i32
      %broadcast_in_dim3A_106 = vector.broadcast %broadcast_in_dim3A_105 : i32 to vector<128x4096xi32>
      %swap3A_107 = arith.constant 0 : index
      %swap3A_108 = arith.constant 0 : index
      %swap3A_109 = vector.load %arg17[%swap3A_107, %swap3A_108] : memref<128x4096xi32, #tpu.memory_space<vmem>>, vector<128x4096xi32>
      tpu.vector_store %arg17[%swap3A_107, %swap3A_108], %broadcast_in_dim3A_106 {strides = array<i32>} : memref<128x4096xi32, #tpu.memory_space<vmem>>, vector<128x4096xi32>,
      %broadcast_in_dim3A_110 = arith.constant 0x7F800000 : f32
      %broadcast_in_dim3A_111 = vector.broadcast %broadcast_in_dim3A_110 : f32 to vector<128x4096xf32>
      %swap3A_112 = arith.constant 0 : index
      %swap3A_113 = arith.constant 0 : index
      %swap3A_114 = vector.load %arg15[%swap3A_112, %swap3A_113] : memref<128x4096xf32, #tpu.memory_space<vmem>>, vector<128x4096xf32>
      tpu.vector_store %arg15[%swap3A_112, %swap3A_113], %broadcast_in_dim3A_111 {strides = array<i32>} : memref<128x4096xf32, #tpu.memory_space<vmem>>, vector<128x4096xf32>,
      %broadcast_in_dim3A_115 = arith.constant 0 : i32
      %broadcast_in_dim3A_116 = vector.broadcast %broadcast_in_dim3A_115 : i32 to vector<128x4096xi32>
      %swap3A_117 = arith.constant 0 : index
      %swap3A_118 = arith.constant 0 : index
      %swap3A_119 = vector.load %arg18[%swap3A_117, %swap3A_118] : memref<128x4096xi32, #tpu.memory_space<vmem>>, vector<128x4096xi32>
      tpu.vector_store %arg18[%swap3A_117, %swap3A_118], %broadcast_in_dim3A_116 {strides = array<i32>} : memref<128x4096xi32, #tpu.memory_space<vmem>>, vector<128x4096xi32>,
    } else {
    }
    %get3A = arith.constant 0 : index
    %get3A_2 = arith.constant 0 : index
    %get3A_3 = vector.load %arg2[%get3A, %get3A_2] : memref<128x128xf32, #tpu.memory_space<vmem>>, vector<128x128xf32>
    %get3A_4 = arith.constant 0 : index
    %get3A_5 = arith.constant 0 : index
    %get3A_6 = vector.load %arg3[%get3A_4, %get3A_5] : memref<4096x128xf32, #tpu.memory_space<vmem>>, vector<4096x128xf32>
    %get3A_7 = arith.constant 0 : index
    %get3A_8 = arith.constant 0 : index
    %get3A_9 = vector.load %arg4[%get3A_7, %get3A_8] : memref<1x4096xi32, #tpu.memory_space<vmem>>, vector<1x4096xi32>
    %dot_general3A = arith.constant dense<0.000000e+00> : vector<128x4096xf32>
    %dot_general3A_10 = tpu.matmul %get3A_3, %get3A_6, %dot_general3A {dimension_numbers = #tpu.dot_dimension_numbers<[1], [1], [0], [0], [0, 0, 1, 0], [], []>, transpose_lhs_hint = false} : vector<128x128xf32>, vector<4096x128xf32>, vector<128x4096xf32> -> vector<128x4096xf32>
    %get3A_11 = arith.constant 0 : index
    %get3A_12 = arith.constant 0 : index
    %get3A_13 = vector.load %arg5[%get3A_11, %get3A_12] : memref<128x1xf32, #tpu.memory_space<vmem>>, vector<128x1xf32>
    %get3A_14 = arith.constant 0 : index
    %get3A_15 = arith.constant 0 : index
    %get3A_16 = vector.load %arg6[%get3A_14, %get3A_15] : memref<1x4096xf32, #tpu.memory_space<vmem>>, vector<1x4096xf32>
    %add3A = vector.broadcast %get3A_13 : vector<128x1xf32> to vector<128x4096xf32>
    %add3A_17 = vector.broadcast %get3A_16 : vector<1x4096xf32> to vector<128x4096xf32>
    %add3A_18 = arith.addf %add3A, %add3A_17 : vector<128x4096xf32>
    %mul3A = arith.constant 2.000000e+00 : f32
    %mul3A_19 = vector.broadcast %mul3A : f32 to vector<128x4096xf32>
    %mul3A_20 = arith.mulf %mul3A_19, %dot_general3A_10 : vector<128x4096xf32>
    %sub3A = arith.subf %add3A_18, %mul3A_20 : vector<128x4096xf32>
    %iota3A = tpu.iota {dimensions = array<i32: 1>} : vector<1x4096xi32>
    %mul3A_21 = arith.constant 4096 : i32
    %mul3A_22 = arith.muli %arg1, %mul3A_21 : i32
    %add3A_23 = vector.broadcast %mul3A_22 : i32 to vector<1x4096xi32>
    %add3A_24 = arith.addi %add3A_23, %iota3A : vector<1x4096xi32>
    %lt3A = arith.constant 100000 : i32
    %lt3A_25 = vector.broadcast %lt3A : i32 to vector<1x4096xi32>
    %lt3A_26 = arith.cmpi slt, %add3A_24, %lt3A_25 : vector<1x4096xi32>
    %jit3A = arith.constant 0x7F800000 : f32
    %broadcast_in_dim3A = vector.shape_cast %lt3A_26 : vector<1x4096xi1> to vector<1x4096xi1>
    %broadcast_in_dim3A_27 = vector.broadcast %broadcast_in_dim3A : vector<1x4096xi1> to vector<128x4096xi1>
    %broadcast_in_dim3A_28 = vector.broadcast %jit3A : f32 to vector<128x4096xf32>
    %select_n3A = arith.select %broadcast_in_dim3A_27, %sub3A, %broadcast_in_dim3A_28 : vector<128x4096xi1>, vector<128x4096xf32>
    %mul3A_29 = arith.constant 4096 : i32
    %mul3A_30 = arith.muli %arg1, %mul3A_29 : i32
    %add3A_31 = vector.broadcast %mul3A_30 : i32 to vector<1x4096xi32>
    %add3A_32 = arith.addi %add3A_31, %iota3A : vector<1x4096xi32>
    %mul3A_33 = arith.constant 128 : i32
    %mul3A_34 = vector.broadcast %mul3A_33 : i32 to vector<1x4096xi32>
    %mul3A_35 = arith.muli %add3A_32, %mul3A_34 : vector<1x4096xi32>
    %add3A_36 = arith.addi %mul3A_35, %get3A_9 : vector<1x4096xi32>
    %broadcast_in_dim3A_37 = vector.shape_cast %add3A_36 : vector<1x4096xi32> to vector<1x4096xi32>
    %broadcast_in_dim3A_38 = vector.broadcast %broadcast_in_dim3A_37 : vector<1x4096xi32> to vector<128x4096xi32>
    %get3A_39 = arith.constant 0 : index
    %get3A_40 = arith.constant 0 : index
    %get3A_41 = vector.load %arg13[%get3A_39, %get3A_40] : memref<128x4096xf32, #tpu.memory_space<vmem>>, vector<128x4096xf32>
    %get3A_42 = arith.constant 0 : index
    %get3A_43 = arith.constant 0 : index
    %get3A_44 = vector.load %arg14[%get3A_42, %get3A_43] : memref<128x4096xf32, #tpu.memory_space<vmem>>, vector<128x4096xf32>
    %get3A_45 = arith.constant 0 : index
    %get3A_46 = arith.constant 0 : index
    %get3A_47 = vector.load %arg15[%get3A_45, %get3A_46] : memref<128x4096xf32, #tpu.memory_space<vmem>>, vector<128x4096xf32>
    %get3A_48 = arith.constant 0 : index
    %get3A_49 = arith.constant 0 : index
    %get3A_50 = vector.load %arg16[%get3A_48, %get3A_49] : memref<128x4096xi32, #tpu.memory_space<vmem>>, vector<128x4096xi32>
    %get3A_51 = arith.constant 0 : index
    %get3A_52 = arith.constant 0 : index
    %get3A_53 = vector.load %arg17[%get3A_51, %get3A_52] : memref<128x4096xi32, #tpu.memory_space<vmem>>, vector<128x4096xi32>
    %get3A_54 = arith.constant 0 : index
    %get3A_55 = arith.constant 0 : index
    %get3A_56 = vector.load %arg18[%get3A_54, %get3A_55] : memref<128x4096xi32, #tpu.memory_space<vmem>>, vector<128x4096xi32>
    %lt3A_57 = arith.cmpf olt, %select_n3A, %get3A_41 : vector<128x4096xf32>
    %lt3A_58 = arith.cmpf olt, %select_n3A, %get3A_44 : vector<128x4096xf32>
    %lt3A_59 = arith.cmpf olt, %select_n3A, %get3A_47 : vector<128x4096xf32>
    %min3A = arith.minimumf %select_n3A, %get3A_41 : vector<128x4096xf32>
    %swap3A = arith.constant 0 : index
    %swap3A_60 = arith.constant 0 : index
    %swap3A_61 = vector.load %arg13[%swap3A, %swap3A_60] : memref<128x4096xf32, #tpu.memory_space<vmem>>, vector<128x4096xf32>
    tpu.vector_store %arg13[%swap3A, %swap3A_60], %min3A {strides = array<i32>} : memref<128x4096xf32, #tpu.memory_space<vmem>>, vector<128x4096xf32>,
    %select_n3A_62 = arith.select %lt3A_57, %broadcast_in_dim3A_38, %get3A_50 : vector<128x4096xi1>, vector<128x4096xi32>
    %swap3A_63 = arith.constant 0 : index
    %swap3A_64 = arith.constant 0 : index
    %swap3A_65 = vector.load %arg16[%swap3A_63, %swap3A_64] : memref<128x4096xi32, #tpu.memory_space<vmem>>, vector<128x4096xi32>
    tpu.vector_store %arg16[%swap3A_63, %swap3A_64], %select_n3A_62 {strides = array<i32>} : memref<128x4096xi32, #tpu.memory_space<vmem>>, vector<128x4096xi32>,
    %max3A = arith.maximumf %select_n3A, %get3A_41 : vector<128x4096xf32>
    %min3A_66 = arith.minimumf %max3A, %get3A_44 : vector<128x4096xf32>
    %swap3A_67 = arith.constant 0 : index
    %swap3A_68 = arith.constant 0 : index
    %swap3A_69 = vector.load %arg14[%swap3A_67, %swap3A_68] : memref<128x4096xf32, #tpu.memory_space<vmem>>, vector<128x4096xf32>
    tpu.vector_store %arg14[%swap3A_67, %swap3A_68], %min3A_66 {strides = array<i32>} : memref<128x4096xf32, #tpu.memory_space<vmem>>, vector<128x4096xf32>,
    %select_n3A_70 = arith.select %lt3A_58, %broadcast_in_dim3A_38, %get3A_53 : vector<128x4096xi1>, vector<128x4096xi32>
    %select_n3A_71 = arith.select %lt3A_57, %get3A_50, %select_n3A_70 : vector<128x4096xi1>, vector<128x4096xi32>
    %swap3A_72 = arith.constant 0 : index
    %swap3A_73 = arith.constant 0 : index
    %swap3A_74 = vector.load %arg17[%swap3A_72, %swap3A_73] : memref<128x4096xi32, #tpu.memory_space<vmem>>, vector<128x4096xi32>
    tpu.vector_store %arg17[%swap3A_72, %swap3A_73], %select_n3A_71 {strides = array<i32>} : memref<128x4096xi32, #tpu.memory_space<vmem>>, vector<128x4096xi32>,
    %max3A_75 = arith.maximumf %select_n3A, %get3A_44 : vector<128x4096xf32>
    %min3A_76 = arith.minimumf %max3A_75, %get3A_47 : vector<128x4096xf32>
    %swap3A_77 = arith.constant 0 : index
    %swap3A_78 = arith.constant 0 : index
    %swap3A_79 = vector.load %arg15[%swap3A_77, %swap3A_78] : memref<128x4096xf32, #tpu.memory_space<vmem>>, vector<128x4096xf32>
    tpu.vector_store %arg15[%swap3A_77, %swap3A_78], %min3A_76 {strides = array<i32>} : memref<128x4096xf32, #tpu.memory_space<vmem>>, vector<128x4096xf32>,
    %select_n3A_80 = arith.select %lt3A_59, %broadcast_in_dim3A_38, %get3A_56 : vector<128x4096xi1>, vector<128x4096xi32>
    %select_n3A_81 = arith.select %lt3A_58, %get3A_53, %select_n3A_80 : vector<128x4096xi1>, vector<128x4096xi32>
    %swap3A_82 = arith.constant 0 : index
    %swap3A_83 = arith.constant 0 : index
    %swap3A_84 = vector.load %arg18[%swap3A_82, %swap3A_83] : memref<128x4096xi32, #tpu.memory_space<vmem>>, vector<128x4096xi32>
    tpu.vector_store %arg18[%swap3A_82, %swap3A_83], %select_n3A_81 {strides = array<i32>} : memref<128x4096xi32, #tpu.memory_space<vmem>>, vector<128x4096xi32>,
    %eq3A_85 = arith.constant 24 : i32
    %eq3A_86 = arith.cmpi eq, %arg1, %eq3A_85 : i32
    %convert_element_type3A_87 = arith.extui %eq3A_86 : i1 to i32
    %cond3A_88 = arith.constant 0 : i32
    %cond3A_89 = arith.cmpi ne, %convert_element_type3A_87, %cond3A_88 : i32
    scf.if %cond3A_89 {
      %get3A_90 = arith.constant 0 : index
      %get3A_91 = arith.constant 0 : index
      %get3A_92 = vector.load %arg13[%get3A_90, %get3A_91] : memref<128x4096xf32, #tpu.memory_space<vmem>>, vector<128x4096xf32>
      %max3A_93 = arith.constant 0.000000e+00 : f32
      %max3A_94 = vector.broadcast %max3A_93 : f32 to vector<128x4096xf32>
      %max3A_95 = arith.maximumf %get3A_92, %max3A_94 : vector<128x4096xf32>
      %sqrt3A = math.sqrt %max3A_95 : vector<128x4096xf32>
      %get3A_96 = arith.constant 0 : index
      %get3A_97 = arith.constant 0 : index
      %get3A_98 = vector.load %arg16[%get3A_96, %get3A_97] : memref<128x4096xi32, #tpu.memory_space<vmem>>, vector<128x4096xi32>
      %get3A_99 = arith.constant 0 : index
      %get3A_100 = arith.constant 0 : index
      %get3A_101 = vector.load %arg14[%get3A_99, %get3A_100] : memref<128x4096xf32, #tpu.memory_space<vmem>>, vector<128x4096xf32>
      %max3A_102 = arith.constant 0.000000e+00 : f32
      %max3A_103 = vector.broadcast %max3A_102 : f32 to vector<128x4096xf32>
      %max3A_104 = arith.maximumf %get3A_101, %max3A_103 : vector<128x4096xf32>
      %sqrt3A_105 = math.sqrt %max3A_104 : vector<128x4096xf32>
      %swap3A_106 = arith.constant 0 : index
      %swap3A_107 = arith.constant 0 : index
      %swap3A_108 = vector.load %arg9[%swap3A_106, %swap3A_107] : memref<128x4096xf32, #tpu.memory_space<vmem>>, vector<128x4096xf32>
      tpu.vector_store %arg9[%swap3A_106, %swap3A_107], %sqrt3A_105 {strides = array<i32>} : memref<128x4096xf32, #tpu.memory_space<vmem>>, vector<128x4096xf32>,
      %get3A_109 = arith.constant 0 : index
      %get3A_110 = arith.constant 0 : index
      %get3A_111 = vector.load %arg15[%get3A_109, %get3A_110] : memref<128x4096xf32, #tpu.memory_space<vmem>>, vector<128x4096xf32>
      %max3A_112 = arith.constant 0.000000e+00 : f32
      %max3A_113 = vector.broadcast %max3A_112 : f32 to vector<128x4096xf32>
      %max3A_114 = arith.maximumf %get3A_111, %max3A_113 : vector<128x4096xf32>
      %sqrt3A_115 = math.sqrt %max3A_114 : vector<128x4096xf32>
      %swap3A_116 = arith.constant 0 : index
      %swap3A_117 = arith.constant 0 : index
      %swap3A_118 = vector.load %arg10[%swap3A_116, %swap3A_117] : memref<128x4096xf32, #tpu.memory_space<vmem>>, vector<128x4096xf32>
      tpu.vector_store %arg10[%swap3A_116, %swap3A_117], %sqrt3A_115 {strides = array<i32>} : memref<128x4096xf32, #tpu.memory_space<vmem>>, vector<128x4096xf32>,
      %get3A_119 = arith.constant 0 : index
      %get3A_120 = arith.constant 0 : index
      %get3A_121 = vector.load %arg17[%get3A_119, %get3A_120] : memref<128x4096xi32, #tpu.memory_space<vmem>>, vector<128x4096xi32>
      %swap3A_122 = arith.constant 0 : index
      %swap3A_123 = arith.constant 0 : index
      %swap3A_124 = vector.load %arg11[%swap3A_122, %swap3A_123] : memref<128x4096xi32, #tpu.memory_space<vmem>>, vector<128x4096xi32>
      tpu.vector_store %arg11[%swap3A_122, %swap3A_123], %get3A_121 {strides = array<i32>} : memref<128x4096xi32, #tpu.memory_space<vmem>>, vector<128x4096xi32>,
      %get3A_125 = arith.constant 0 : index
      %get3A_126 = arith.constant 0 : index
      %get3A_127 = vector.load %arg18[%get3A_125, %get3A_126] : memref<128x4096xi32, #tpu.memory_space<vmem>>, vector<128x4096xi32>
      %swap3A_128 = arith.constant 0 : index
      %swap3A_129 = arith.constant 0 : index
      %swap3A_130 = vector.load %arg12[%swap3A_128, %swap3A_129] : memref<128x4096xi32, #tpu.memory_space<vmem>>, vector<128x4096xi32>
      tpu.vector_store %arg12[%swap3A_128, %swap3A_129], %get3A_127 {strides = array<i32>} : memref<128x4096xi32, #tpu.memory_space<vmem>>, vector<128x4096xi32>,
      %reduce_min3A = arith.constant dense<0x7F800000> : vector<128xf32>
      %reduce_min3A_131 = vector.multi_reduction <minimumf>, %sqrt3A, %reduce_min3A [1] : vector<128x4096xf32> to vector<128xf32>
      %broadcast_in_dim3A_132 = vector.shape_cast %reduce_min3A_131 : vector<128xf32> to vector<128x1xf32>
      %eq3A_133 = vector.broadcast %broadcast_in_dim3A_132 : vector<128x1xf32> to vector<128x4096xf32>
      %eq3A_134 = arith.cmpf oeq, %sqrt3A, %eq3A_133 : vector<128x4096xf32>
      %jit3A_135 = arith.constant 1073741824 : i32
      %broadcast_in_dim3A_136 = vector.broadcast %jit3A_135 : i32 to vector<128x4096xi32>
      %select_n3A_137 = arith.select %eq3A_134, %get3A_98, %broadcast_in_dim3A_136 : vector<128x4096xi1>, vector<128x4096xi32>
      %reduce_min3A_138 = arith.constant dense<2147483647> : vector<128xi32>
      %reduce_min3A_139 = vector.multi_reduction <minsi>, %select_n3A_137, %reduce_min3A_138 [1] : vector<128x4096xi32> to vector<128xi32>
      %broadcast_in_dim3A_140 = vector.shape_cast %reduce_min3A_139 : vector<128xi32> to vector<128x1xi32>
      %eq3A_141 = vector.broadcast %broadcast_in_dim3A_140 : vector<128x1xi32> to vector<128x4096xi32>
      %eq3A_142 = arith.cmpi eq, %get3A_98, %eq3A_141 : vector<128x4096xi32>
      %and3A = arith.andi %eq3A_134, %eq3A_142 : vector<128x4096xi1>
      %jit3A_143 = arith.constant 0x7F800000 : f32
      %broadcast_in_dim3A_144 = vector.broadcast %jit3A_143 : f32 to vector<128x4096xf32>
      %select_n3A_145 = arith.select %and3A, %broadcast_in_dim3A_144, %sqrt3A : vector<128x4096xi1>, vector<128x4096xf32>
      %reduce_min3A_146 = arith.constant dense<0x7F800000> : vector<128xf32>
      %reduce_min3A_147 = vector.multi_reduction <minimumf>, %select_n3A_145, %reduce_min3A_146 [1] : vector<128x4096xf32> to vector<128xf32>
      %broadcast_in_dim3A_148 = vector.shape_cast %reduce_min3A_147 : vector<128xf32> to vector<128x1xf32>
      %eq3A_149 = vector.broadcast %broadcast_in_dim3A_148 : vector<128x1xf32> to vector<128x4096xf32>
      %eq3A_150 = arith.cmpf oeq, %select_n3A_145, %eq3A_149 : vector<128x4096xf32>
      %jit3A_151 = arith.constant 1073741824 : i32
      %broadcast_in_dim3A_152 = vector.broadcast %jit3A_151 : i32 to vector<128x4096xi32>
      %select_n3A_153 = arith.select %eq3A_150, %get3A_98, %broadcast_in_dim3A_152 : vector<128x4096xi1>, vector<128x4096xi32>
      %reduce_min3A_154 = arith.constant dense<2147483647> : vector<128xi32>
      %reduce_min3A_155 = vector.multi_reduction <minsi>, %select_n3A_153, %reduce_min3A_154 [1] : vector<128x4096xi32> to vector<128xi32>
      %broadcast_in_dim3A_156 = vector.shape_cast %reduce_min3A_155 : vector<128xi32> to vector<128x1xi32>
      %eq3A_157 = vector.broadcast %broadcast_in_dim3A_156 : vector<128x1xi32> to vector<128x4096xi32>
      %eq3A_158 = arith.cmpi eq, %get3A_98, %eq3A_157 : vector<128x4096xi32>
      %and3A_159 = arith.andi %eq3A_150, %eq3A_158 : vector<128x4096xi1>
      %jit3A_160 = arith.constant 0x7F800000 : f32
      %broadcast_in_dim3A_161 = vector.broadcast %jit3A_160 : f32 to vector<128x4096xf32>
      %select_n3A_162 = arith.select %and3A_159, %broadcast_in_dim3A_161, %select_n3A_145 : vector<128x4096xi1>, vector<128x4096xf32>
      %reduce_min3A_163 = arith.constant dense<0x7F800000> : vector<128xf32>
      %reduce_min3A_164 = vector.multi_reduction <minimumf>, %select_n3A_162, %reduce_min3A_163 [1] : vector<128x4096xf32> to vector<128xf32>
      %broadcast_in_dim3A_165 = vector.shape_cast %reduce_min3A_164 : vector<128xf32> to vector<128x1xf32>
      %eq3A_166 = vector.broadcast %broadcast_in_dim3A_165 : vector<128x1xf32> to vector<128x4096xf32>
      %eq3A_167 = arith.cmpf oeq, %select_n3A_162, %eq3A_166 : vector<128x4096xf32>
      %jit3A_168 = arith.constant 1073741824 : i32
      %broadcast_in_dim3A_169 = vector.broadcast %jit3A_168 : i32 to vector<128x4096xi32>
      %select_n3A_170 = arith.select %eq3A_167, %get3A_98, %broadcast_in_dim3A_169 : vector<128x4096xi1>, vector<128x4096xi32>
      %reduce_min3A_171 = arith.constant dense<2147483647> : vector<128xi32>
      %reduce_min3A_172 = vector.multi_reduction <minsi>, %select_n3A_170, %reduce_min3A_171 [1] : vector<128x4096xi32> to vector<128xi32>
      %broadcast_in_dim3A_173 = vector.shape_cast %reduce_min3A_172 : vector<128xi32> to vector<128x1xi32>
      %eq3A_174 = vector.broadcast %broadcast_in_dim3A_173 : vector<128x1xi32> to vector<128x4096xi32>
      %eq3A_175 = arith.cmpi eq, %get3A_98, %eq3A_174 : vector<128x4096xi32>
      %and3A_176 = arith.andi %eq3A_167, %eq3A_175 : vector<128x4096xi1>
      %jit3A_177 = arith.constant 0x7F800000 : f32
      %broadcast_in_dim3A_178 = vector.broadcast %jit3A_177 : f32 to vector<128x4096xf32>
      %select_n3A_179 = arith.select %and3A_176, %broadcast_in_dim3A_178, %select_n3A_162 : vector<128x4096xi1>, vector<128x4096xf32>
      %reduce_min3A_180 = arith.constant dense<0x7F800000> : vector<128xf32>
      %reduce_min3A_181 = vector.multi_reduction <minimumf>, %select_n3A_179, %reduce_min3A_180 [1] : vector<128x4096xf32> to vector<128xf32>
      %broadcast_in_dim3A_182 = vector.shape_cast %reduce_min3A_181 : vector<128xf32> to vector<128x1xf32>
      %eq3A_183 = vector.broadcast %broadcast_in_dim3A_182 : vector<128x1xf32> to vector<128x4096xf32>
      %eq3A_184 = arith.cmpf oeq, %select_n3A_179, %eq3A_183 : vector<128x4096xf32>
      %jit3A_185 = arith.constant 1073741824 : i32
      %broadcast_in_dim3A_186 = vector.broadcast %jit3A_185 : i32 to vector<128x4096xi32>
      %select_n3A_187 = arith.select %eq3A_184, %get3A_98, %broadcast_in_dim3A_186 : vector<128x4096xi1>, vector<128x4096xi32>
      %reduce_min3A_188 = arith.constant dense<2147483647> : vector<128xi32>
      %reduce_min3A_189 = vector.multi_reduction <minsi>, %select_n3A_187, %reduce_min3A_188 [1] : vector<128x4096xi32> to vector<128xi32>
      %broadcast_in_dim3A_190 = vector.shape_cast %reduce_min3A_189 : vector<128xi32> to vector<128x1xi32>
      %eq3A_191 = vector.broadcast %broadcast_in_dim3A_190 : vector<128x1xi32> to vector<128x4096xi32>
      %eq3A_192 = arith.cmpi eq, %get3A_98, %eq3A_191 : vector<128x4096xi32>
      %and3A_193 = arith.andi %eq3A_184, %eq3A_192 : vector<128x4096xi1>
      %jit3A_194 = arith.constant 0x7F800000 : f32
      %broadcast_in_dim3A_195 = vector.broadcast %jit3A_194 : f32 to vector<128x4096xf32>
      %select_n3A_196 = arith.select %and3A_193, %broadcast_in_dim3A_195, %select_n3A_179 : vector<128x4096xi1>, vector<128x4096xf32>
      %reduce_min3A_197 = arith.constant dense<0x7F800000> : vector<128xf32>
      %reduce_min3A_198 = vector.multi_reduction <minimumf>, %select_n3A_196, %reduce_min3A_197 [1] : vector<128x4096xf32> to vector<128xf32>
      %broadcast_in_dim3A_199 = vector.shape_cast %reduce_min3A_198 : vector<128xf32> to vector<128x1xf32>
      %eq3A_200 = vector.broadcast %broadcast_in_dim3A_199 : vector<128x1xf32> to vector<128x4096xf32>
      %eq3A_201 = arith.cmpf oeq, %select_n3A_196, %eq3A_200 : vector<128x4096xf32>
      %jit3A_202 = arith.constant 1073741824 : i32
      %broadcast_in_dim3A_203 = vector.broadcast %jit3A_202 : i32 to vector<128x4096xi32>
      %select_n3A_204 = arith.select %eq3A_201, %get3A_98, %broadcast_in_dim3A_203 : vector<128x4096xi1>, vector<128x4096xi32>
      %reduce_min3A_205 = arith.constant dense<2147483647> : vector<128xi32>
      %reduce_min3A_206 = vector.multi_reduction <minsi>, %select_n3A_204, %reduce_min3A_205 [1] : vector<128x4096xi32> to vector<128xi32>
      %broadcast_in_dim3A_207 = vector.shape_cast %reduce_min3A_206 : vector<128xi32> to vector<128x1xi32>
      %eq3A_208 = vector.broadcast %broadcast_in_dim3A_207 : vector<128x1xi32> to vector<128x4096xi32>
      %eq3A_209 = arith.cmpi eq, %get3A_98, %eq3A_208 : vector<128x4096xi32>
      %and3A_210 = arith.andi %eq3A_201, %eq3A_209 : vector<128x4096xi1>
      %jit3A_211 = arith.constant 0x7F800000 : f32
      %broadcast_in_dim3A_212 = vector.broadcast %jit3A_211 : f32 to vector<128x4096xf32>
      %select_n3A_213 = arith.select %and3A_210, %broadcast_in_dim3A_212, %select_n3A_196 : vector<128x4096xi1>, vector<128x4096xf32>
      %reduce_min3A_214 = arith.constant dense<0x7F800000> : vector<128xf32>
      %reduce_min3A_215 = vector.multi_reduction <minimumf>, %select_n3A_213, %reduce_min3A_214 [1] : vector<128x4096xf32> to vector<128xf32>
      %broadcast_in_dim3A_216 = vector.shape_cast %reduce_min3A_215 : vector<128xf32> to vector<128x1xf32>
      %eq3A_217 = vector.broadcast %broadcast_in_dim3A_216 : vector<128x1xf32> to vector<128x4096xf32>
      %eq3A_218 = arith.cmpf oeq, %select_n3A_213, %eq3A_217 : vector<128x4096xf32>
      %jit3A_219 = arith.constant 1073741824 : i32
      %broadcast_in_dim3A_220 = vector.broadcast %jit3A_219 : i32 to vector<128x4096xi32>
      %select_n3A_221 = arith.select %eq3A_218, %get3A_98, %broadcast_in_dim3A_220 : vector<128x4096xi1>, vector<128x4096xi32>
      %reduce_min3A_222 = arith.constant dense<2147483647> : vector<128xi32>
      %reduce_min3A_223 = vector.multi_reduction <minsi>, %select_n3A_221, %reduce_min3A_222 [1] : vector<128x4096xi32> to vector<128xi32>
      %broadcast_in_dim3A_224 = vector.shape_cast %reduce_min3A_223 : vector<128xi32> to vector<128x1xi32>
      %eq3A_225 = vector.broadcast %broadcast_in_dim3A_224 : vector<128x1xi32> to vector<128x4096xi32>
      %eq3A_226 = arith.cmpi eq, %get3A_98, %eq3A_225 : vector<128x4096xi32>
      %and3A_227 = arith.andi %eq3A_218, %eq3A_226 : vector<128x4096xi1>
      %jit3A_228 = arith.constant 0x7F800000 : f32
      %broadcast_in_dim3A_229 = vector.broadcast %jit3A_228 : f32 to vector<128x4096xf32>
      %select_n3A_230 = arith.select %and3A_227, %broadcast_in_dim3A_229, %select_n3A_213 : vector<128x4096xi1>, vector<128x4096xf32>
      %reduce_min3A_231 = arith.constant dense<0x7F800000> : vector<128xf32>
      %reduce_min3A_232 = vector.multi_reduction <minimumf>, %select_n3A_230, %reduce_min3A_231 [1] : vector<128x4096xf32> to vector<128xf32>
      %broadcast_in_dim3A_233 = vector.shape_cast %reduce_min3A_232 : vector<128xf32> to vector<128x1xf32>
      %eq3A_234 = vector.broadcast %broadcast_in_dim3A_233 : vector<128x1xf32> to vector<128x4096xf32>
      %eq3A_235 = arith.cmpf oeq, %select_n3A_230, %eq3A_234 : vector<128x4096xf32>
      %jit3A_236 = arith.constant 1073741824 : i32
      %broadcast_in_dim3A_237 = vector.broadcast %jit3A_236 : i32 to vector<128x4096xi32>
      %select_n3A_238 = arith.select %eq3A_235, %get3A_98, %broadcast_in_dim3A_237 : vector<128x4096xi1>, vector<128x4096xi32>
      %reduce_min3A_239 = arith.constant dense<2147483647> : vector<128xi32>
      %reduce_min3A_240 = vector.multi_reduction <minsi>, %select_n3A_238, %reduce_min3A_239 [1] : vector<128x4096xi32> to vector<128xi32>
      %broadcast_in_dim3A_241 = vector.shape_cast %reduce_min3A_240 : vector<128xi32> to vector<128x1xi32>
      %eq3A_242 = vector.broadcast %broadcast_in_dim3A_241 : vector<128x1xi32> to vector<128x4096xi32>
      %eq3A_243 = arith.cmpi eq, %get3A_98, %eq3A_242 : vector<128x4096xi32>
      %and3A_244 = arith.andi %eq3A_235, %eq3A_243 : vector<128x4096xi1>
      %jit3A_245 = arith.constant 0x7F800000 : f32
      %broadcast_in_dim3A_246 = vector.broadcast %jit3A_245 : f32 to vector<128x4096xf32>
      %select_n3A_247 = arith.select %and3A_244, %broadcast_in_dim3A_246, %select_n3A_230 : vector<128x4096xi1>, vector<128x4096xf32>
      %reduce_min3A_248 = arith.constant dense<0x7F800000> : vector<128xf32>
      %reduce_min3A_249 = vector.multi_reduction <minimumf>, %select_n3A_247, %reduce_min3A_248 [1] : vector<128x4096xf32> to vector<128xf32>
      %broadcast_in_dim3A_250 = vector.shape_cast %reduce_min3A_249 : vector<128xf32> to vector<128x1xf32>
      %eq3A_251 = vector.broadcast %broadcast_in_dim3A_250 : vector<128x1xf32> to vector<128x4096xf32>
      %eq3A_252 = arith.cmpf oeq, %select_n3A_247, %eq3A_251 : vector<128x4096xf32>
      %jit3A_253 = arith.constant 1073741824 : i32
      %broadcast_in_dim3A_254 = vector.broadcast %jit3A_253 : i32 to vector<128x4096xi32>
      %select_n3A_255 = arith.select %eq3A_252, %get3A_98, %broadcast_in_dim3A_254 : vector<128x4096xi1>, vector<128x4096xi32>
      %reduce_min3A_256 = arith.constant dense<2147483647> : vector<128xi32>
      %reduce_min3A_257 = vector.multi_reduction <minsi>, %select_n3A_255, %reduce_min3A_256 [1] : vector<128x4096xi32> to vector<128xi32>
      %broadcast_in_dim3A_258 = vector.shape_cast %reduce_min3A_257 : vector<128xi32> to vector<128x1xi32>
      %eq3A_259 = vector.broadcast %broadcast_in_dim3A_258 : vector<128x1xi32> to vector<128x4096xi32>
      %eq3A_260 = arith.cmpi eq, %get3A_98, %eq3A_259 : vector<128x4096xi32>
      %and3A_261 = arith.andi %eq3A_252, %eq3A_260 : vector<128x4096xi1>
      %jit3A_262 = arith.constant 0x7F800000 : f32
      %broadcast_in_dim3A_263 = vector.broadcast %jit3A_262 : f32 to vector<128x4096xf32>
      %select_n3A_264 = arith.select %and3A_261, %broadcast_in_dim3A_263, %select_n3A_247 : vector<128x4096xi1>, vector<128x4096xf32>
      %reduce_min3A_265 = arith.constant dense<0x7F800000> : vector<128xf32>
      %reduce_min3A_266 = vector.multi_reduction <minimumf>, %select_n3A_264, %reduce_min3A_265 [1] : vector<128x4096xf32> to vector<128xf32>
      %broadcast_in_dim3A_267 = vector.shape_cast %reduce_min3A_266 : vector<128xf32> to vector<128x1xf32>
      %eq3A_268 = vector.broadcast %broadcast_in_dim3A_267 : vector<128x1xf32> to vector<128x4096xf32>
      %eq3A_269 = arith.cmpf oeq, %select_n3A_264, %eq3A_268 : vector<128x4096xf32>
      %jit3A_270 = arith.constant 1073741824 : i32
      %broadcast_in_dim3A_271 = vector.broadcast %jit3A_270 : i32 to vector<128x4096xi32>
      %select_n3A_272 = arith.select %eq3A_269, %get3A_98, %broadcast_in_dim3A_271 : vector<128x4096xi1>, vector<128x4096xi32>
      %reduce_min3A_273 = arith.constant dense<2147483647> : vector<128xi32>
      %reduce_min3A_274 = vector.multi_reduction <minsi>, %select_n3A_272, %reduce_min3A_273 [1] : vector<128x4096xi32> to vector<128xi32>
      %broadcast_in_dim3A_275 = vector.shape_cast %reduce_min3A_274 : vector<128xi32> to vector<128x1xi32>
      %eq3A_276 = vector.broadcast %broadcast_in_dim3A_275 : vector<128x1xi32> to vector<128x4096xi32>
      %eq3A_277 = arith.cmpi eq, %get3A_98, %eq3A_276 : vector<128x4096xi32>
      %and3A_278 = arith.andi %eq3A_269, %eq3A_277 : vector<128x4096xi1>
      %jit3A_279 = arith.constant 0x7F800000 : f32
      %broadcast_in_dim3A_280 = vector.broadcast %jit3A_279 : f32 to vector<128x4096xf32>
      %select_n3A_281 = arith.select %and3A_278, %broadcast_in_dim3A_280, %select_n3A_264 : vector<128x4096xi1>, vector<128x4096xf32>
      %reduce_min3A_282 = arith.constant dense<0x7F800000> : vector<128xf32>
      %reduce_min3A_283 = vector.multi_reduction <minimumf>, %select_n3A_281, %reduce_min3A_282 [1] : vector<128x4096xf32> to vector<128xf32>
      %broadcast_in_dim3A_284 = vector.shape_cast %reduce_min3A_283 : vector<128xf32> to vector<128x1xf32>
      %eq3A_285 = vector.broadcast %broadcast_in_dim3A_284 : vector<128x1xf32> to vector<128x4096xf32>
      %eq3A_286 = arith.cmpf oeq, %select_n3A_281, %eq3A_285 : vector<128x4096xf32>
      %jit3A_287 = arith.constant 1073741824 : i32
      %broadcast_in_dim3A_288 = vector.broadcast %jit3A_287 : i32 to vector<128x4096xi32>
      %select_n3A_289 = arith.select %eq3A_286, %get3A_98, %broadcast_in_dim3A_288 : vector<128x4096xi1>, vector<128x4096xi32>
      %reduce_min3A_290 = arith.constant dense<2147483647> : vector<128xi32>
      %reduce_min3A_291 = vector.multi_reduction <minsi>, %select_n3A_289, %reduce_min3A_290 [1] : vector<128x4096xi32> to vector<128xi32>
      %broadcast_in_dim3A_292 = vector.shape_cast %reduce_min3A_291 : vector<128xi32> to vector<128x1xi32>
      %eq3A_293 = vector.broadcast %broadcast_in_dim3A_292 : vector<128x1xi32> to vector<128x4096xi32>
      %eq3A_294 = arith.cmpi eq, %get3A_98, %eq3A_293 : vector<128x4096xi32>
      %and3A_295 = arith.andi %eq3A_286, %eq3A_294 : vector<128x4096xi1>
      %jit3A_296 = arith.constant 0x7F800000 : f32
      %broadcast_in_dim3A_297 = vector.broadcast %jit3A_296 : f32 to vector<128x4096xf32>
      %select_n3A_298 = arith.select %and3A_295, %broadcast_in_dim3A_297, %select_n3A_281 : vector<128x4096xi1>, vector<128x4096xf32>
      %reduce_min3A_299 = arith.constant dense<0x7F800000> : vector<128xf32>
      %reduce_min3A_300 = vector.multi_reduction <minimumf>, %select_n3A_298, %reduce_min3A_299 [1] : vector<128x4096xf32> to vector<128xf32>
      %broadcast_in_dim3A_301 = vector.shape_cast %reduce_min3A_300 : vector<128xf32> to vector<128x1xf32>
      %eq3A_302 = vector.broadcast %broadcast_in_dim3A_301 : vector<128x1xf32> to vector<128x4096xf32>
      %eq3A_303 = arith.cmpf oeq, %select_n3A_298, %eq3A_302 : vector<128x4096xf32>
      %jit3A_304 = arith.constant 1073741824 : i32
      %broadcast_in_dim3A_305 = vector.broadcast %jit3A_304 : i32 to vector<128x4096xi32>
      %select_n3A_306 = arith.select %eq3A_303, %get3A_98, %broadcast_in_dim3A_305 : vector<128x4096xi1>, vector<128x4096xi32>
      %reduce_min3A_307 = arith.constant dense<2147483647> : vector<128xi32>
      %reduce_min3A_308 = vector.multi_reduction <minsi>, %select_n3A_306, %reduce_min3A_307 [1] : vector<128x4096xi32> to vector<128xi32>
      %broadcast_in_dim3A_309 = vector.shape_cast %reduce_min3A_308 : vector<128xi32> to vector<128x1xi32>
      %eq3A_310 = vector.broadcast %broadcast_in_dim3A_309 : vector<128x1xi32> to vector<128x4096xi32>
      %eq3A_311 = arith.cmpi eq, %get3A_98, %eq3A_310 : vector<128x4096xi32>
      %and3A_312 = arith.andi %eq3A_303, %eq3A_311 : vector<128x4096xi1>
      %jit3A_313 = arith.constant 0x7F800000 : f32
      %broadcast_in_dim3A_314 = vector.broadcast %jit3A_313 : f32 to vector<128x4096xf32>
      %select_n3A_315 = arith.select %and3A_312, %broadcast_in_dim3A_314, %select_n3A_298 : vector<128x4096xi1>, vector<128x4096xf32>
      %reduce_min3A_316 = arith.constant dense<0x7F800000> : vector<128xf32>
      %reduce_min3A_317 = vector.multi_reduction <minimumf>, %select_n3A_315, %reduce_min3A_316 [1] : vector<128x4096xf32> to vector<128xf32>
      %broadcast_in_dim3A_318 = vector.shape_cast %reduce_min3A_317 : vector<128xf32> to vector<128x1xf32>
      %eq3A_319 = vector.broadcast %broadcast_in_dim3A_318 : vector<128x1xf32> to vector<128x4096xf32>
      %eq3A_320 = arith.cmpf oeq, %select_n3A_315, %eq3A_319 : vector<128x4096xf32>
      %jit3A_321 = arith.constant 1073741824 : i32
      %broadcast_in_dim3A_322 = vector.broadcast %jit3A_321 : i32 to vector<128x4096xi32>
      %select_n3A_323 = arith.select %eq3A_320, %get3A_98, %broadcast_in_dim3A_322 : vector<128x4096xi1>, vector<128x4096xi32>
      %reduce_min3A_324 = arith.constant dense<2147483647> : vector<128xi32>
      %reduce_min3A_325 = vector.multi_reduction <minsi>, %select_n3A_323, %reduce_min3A_324 [1] : vector<128x4096xi32> to vector<128xi32>
      %broadcast_in_dim3A_326 = vector.shape_cast %reduce_min3A_325 : vector<128xi32> to vector<128x1xi32>
      %eq3A_327 = vector.broadcast %broadcast_in_dim3A_326 : vector<128x1xi32> to vector<128x4096xi32>
      %eq3A_328 = arith.cmpi eq, %get3A_98, %eq3A_327 : vector<128x4096xi32>
      %and3A_329 = arith.andi %eq3A_320, %eq3A_328 : vector<128x4096xi1>
      %jit3A_330 = arith.constant 0x7F800000 : f32
      %broadcast_in_dim3A_331 = vector.broadcast %jit3A_330 : f32 to vector<128x4096xf32>
      %select_n3A_332 = arith.select %and3A_329, %broadcast_in_dim3A_331, %select_n3A_315 : vector<128x4096xi1>, vector<128x4096xf32>
      %reduce_min3A_333 = arith.constant dense<0x7F800000> : vector<128xf32>
      %reduce_min3A_334 = vector.multi_reduction <minimumf>, %select_n3A_332, %reduce_min3A_333 [1] : vector<128x4096xf32> to vector<128xf32>
      %broadcast_in_dim3A_335 = vector.shape_cast %reduce_min3A_334 : vector<128xf32> to vector<128x1xf32>
      %eq3A_336 = vector.broadcast %broadcast_in_dim3A_335 : vector<128x1xf32> to vector<128x4096xf32>
      %eq3A_337 = arith.cmpf oeq, %select_n3A_332, %eq3A_336 : vector<128x4096xf32>
      %jit3A_338 = arith.constant 1073741824 : i32
      %broadcast_in_dim3A_339 = vector.broadcast %jit3A_338 : i32 to vector<128x4096xi32>
      %select_n3A_340 = arith.select %eq3A_337, %get3A_98, %broadcast_in_dim3A_339 : vector<128x4096xi1>, vector<128x4096xi32>
      %reduce_min3A_341 = arith.constant dense<2147483647> : vector<128xi32>
      %reduce_min3A_342 = vector.multi_reduction <minsi>, %select_n3A_340, %reduce_min3A_341 [1] : vector<128x4096xi32> to vector<128xi32>
      %broadcast_in_dim3A_343 = vector.shape_cast %reduce_min3A_342 : vector<128xi32> to vector<128x1xi32>
      %eq3A_344 = vector.broadcast %broadcast_in_dim3A_343 : vector<128x1xi32> to vector<128x4096xi32>
      %eq3A_345 = arith.cmpi eq, %get3A_98, %eq3A_344 : vector<128x4096xi32>
      %and3A_346 = arith.andi %eq3A_337, %eq3A_345 : vector<128x4096xi1>
      %jit3A_347 = arith.constant 0x7F800000 : f32
      %broadcast_in_dim3A_348 = vector.broadcast %jit3A_347 : f32 to vector<128x4096xf32>
      %select_n3A_349 = arith.select %and3A_346, %broadcast_in_dim3A_348, %select_n3A_332 : vector<128x4096xi1>, vector<128x4096xf32>
      %reduce_min3A_350 = arith.constant dense<0x7F800000> : vector<128xf32>
      %reduce_min3A_351 = vector.multi_reduction <minimumf>, %select_n3A_349, %reduce_min3A_350 [1] : vector<128x4096xf32> to vector<128xf32>
      %broadcast_in_dim3A_352 = vector.shape_cast %reduce_min3A_351 : vector<128xf32> to vector<128x1xf32>
      %eq3A_353 = vector.broadcast %broadcast_in_dim3A_352 : vector<128x1xf32> to vector<128x4096xf32>
      %eq3A_354 = arith.cmpf oeq, %select_n3A_349, %eq3A_353 : vector<128x4096xf32>
      %jit3A_355 = arith.constant 1073741824 : i32
      %broadcast_in_dim3A_356 = vector.broadcast %jit3A_355 : i32 to vector<128x4096xi32>
      %select_n3A_357 = arith.select %eq3A_354, %get3A_98, %broadcast_in_dim3A_356 : vector<128x4096xi1>, vector<128x4096xi32>
      %reduce_min3A_358 = arith.constant dense<2147483647> : vector<128xi32>
      %reduce_min3A_359 = vector.multi_reduction <minsi>, %select_n3A_357, %reduce_min3A_358 [1] : vector<128x4096xi32> to vector<128xi32>
      %broadcast_in_dim3A_360 = vector.shape_cast %reduce_min3A_359 : vector<128xi32> to vector<128x1xi32>
      %eq3A_361 = vector.broadcast %broadcast_in_dim3A_360 : vector<128x1xi32> to vector<128x4096xi32>
      %eq3A_362 = arith.cmpi eq, %get3A_98, %eq3A_361 : vector<128x4096xi32>
      %and3A_363 = arith.andi %eq3A_354, %eq3A_362 : vector<128x4096xi1>
      %jit3A_364 = arith.constant 0x7F800000 : f32
      %broadcast_in_dim3A_365 = vector.broadcast %jit3A_364 : f32 to vector<128x4096xf32>
      %select_n3A_366 = arith.select %and3A_363, %broadcast_in_dim3A_365, %select_n3A_349 : vector<128x4096xi1>, vector<128x4096xf32>
      %reduce_min3A_367 = arith.constant dense<0x7F800000> : vector<128xf32>
      %reduce_min3A_368 = vector.multi_reduction <minimumf>, %select_n3A_366, %reduce_min3A_367 [1] : vector<128x4096xf32> to vector<128xf32>
      %broadcast_in_dim3A_369 = vector.shape_cast %reduce_min3A_368 : vector<128xf32> to vector<128x1xf32>
      %eq3A_370 = vector.broadcast %broadcast_in_dim3A_369 : vector<128x1xf32> to vector<128x4096xf32>
      %eq3A_371 = arith.cmpf oeq, %select_n3A_366, %eq3A_370 : vector<128x4096xf32>
      %jit3A_372 = arith.constant 1073741824 : i32
      %broadcast_in_dim3A_373 = vector.broadcast %jit3A_372 : i32 to vector<128x4096xi32>
      %select_n3A_374 = arith.select %eq3A_371, %get3A_98, %broadcast_in_dim3A_373 : vector<128x4096xi1>, vector<128x4096xi32>
      %reduce_min3A_375 = arith.constant dense<2147483647> : vector<128xi32>
      %reduce_min3A_376 = vector.multi_reduction <minsi>, %select_n3A_374, %reduce_min3A_375 [1] : vector<128x4096xi32> to vector<128xi32>
      %broadcast_in_dim3A_377 = vector.shape_cast %reduce_min3A_376 : vector<128xi32> to vector<128x1xi32>
      %eq3A_378 = vector.broadcast %broadcast_in_dim3A_377 : vector<128x1xi32> to vector<128x4096xi32>
      %eq3A_379 = arith.cmpi eq, %get3A_98, %eq3A_378 : vector<128x4096xi32>
      %and3A_380 = arith.andi %eq3A_371, %eq3A_379 : vector<128x4096xi1>
      %jit3A_381 = arith.constant 0x7F800000 : f32
      %broadcast_in_dim3A_382 = vector.broadcast %jit3A_381 : f32 to vector<128x4096xf32>
      %select_n3A_383 = arith.select %and3A_380, %broadcast_in_dim3A_382, %select_n3A_366 : vector<128x4096xi1>, vector<128x4096xf32>
      %reduce_min3A_384 = arith.constant dense<0x7F800000> : vector<128xf32>
      %reduce_min3A_385 = vector.multi_reduction <minimumf>, %select_n3A_383, %reduce_min3A_384 [1] : vector<128x4096xf32> to vector<128xf32>
      %broadcast_in_dim3A_386 = vector.shape_cast %reduce_min3A_385 : vector<128xf32> to vector<128x1xf32>
      %eq3A_387 = vector.broadcast %broadcast_in_dim3A_386 : vector<128x1xf32> to vector<128x4096xf32>
      %eq3A_388 = arith.cmpf oeq, %select_n3A_383, %eq3A_387 : vector<128x4096xf32>
      %jit3A_389 = arith.constant 1073741824 : i32
      %broadcast_in_dim3A_390 = vector.broadcast %jit3A_389 : i32 to vector<128x4096xi32>
      %select_n3A_391 = arith.select %eq3A_388, %get3A_98, %broadcast_in_dim3A_390 : vector<128x4096xi1>, vector<128x4096xi32>
      %reduce_min3A_392 = arith.constant dense<2147483647> : vector<128xi32>
      %reduce_min3A_393 = vector.multi_reduction <minsi>, %select_n3A_391, %reduce_min3A_392 [1] : vector<128x4096xi32> to vector<128xi32>
      %broadcast_in_dim3A_394 = vector.shape_cast %reduce_min3A_393 : vector<128xi32> to vector<128x1xi32>
      %concatenate3A = tpu.concatenate %broadcast_in_dim3A_132, %broadcast_in_dim3A_148, %broadcast_in_dim3A_165, %broadcast_in_dim3A_182, %broadcast_in_dim3A_199, %broadcast_in_dim3A_216, %broadcast_in_dim3A_233, %broadcast_in_dim3A_250, %broadcast_in_dim3A_267, %broadcast_in_dim3A_284, %broadcast_in_dim3A_301, %broadcast_in_dim3A_318, %broadcast_in_dim3A_335, %broadcast_in_dim3A_352, %broadcast_in_dim3A_369, %broadcast_in_dim3A_386 in 1 : vector<128x1xf32>, vector<128x1xf32>, vector<128x1xf32>, vector<128x1xf32>, vector<128x1xf32>, vector<128x1xf32>, vector<128x1xf32>, vector<128x1xf32>, vector<128x1xf32>, vector<128x1xf32>, vector<128x1xf32>, vector<128x1xf32>, vector<128x1xf32>, vector<128x1xf32>, vector<128x1xf32>, vector<128x1xf32> -> vector<128x16xf32>
      %swap3A_395 = arith.constant 0 : index
      %swap3A_396 = arith.constant 0 : index
      %swap3A_397 = vector.load %arg7[%swap3A_395, %swap3A_396] : memref<128x16xf32, #tpu.memory_space<vmem>>, vector<128x16xf32>
      tpu.vector_store %arg7[%swap3A_395, %swap3A_396], %concatenate3A {strides = array<i32>} : memref<128x16xf32, #tpu.memory_space<vmem>>, vector<128x16xf32>,
      %concatenate3A_398 = tpu.concatenate %broadcast_in_dim3A_140, %broadcast_in_dim3A_156, %broadcast_in_dim3A_173, %broadcast_in_dim3A_190, %broadcast_in_dim3A_207, %broadcast_in_dim3A_224, %broadcast_in_dim3A_241, %broadcast_in_dim3A_258, %broadcast_in_dim3A_275, %broadcast_in_dim3A_292, %broadcast_in_dim3A_309, %broadcast_in_dim3A_326, %broadcast_in_dim3A_343, %broadcast_in_dim3A_360, %broadcast_in_dim3A_377, %broadcast_in_dim3A_394 in 1 : vector<128x1xi32>, vector<128x1xi32>, vector<128x1xi32>, vector<128x1xi32>, vector<128x1xi32>, vector<128x1xi32>, vector<128x1xi32>, vector<128x1xi32>, vector<128x1xi32>, vector<128x1xi32>, vector<128x1xi32>, vector<128x1xi32>, vector<128x1xi32>, vector<128x1xi32>, vector<128x1xi32>, vector<128x1xi32> -> vector<128x16xi32>
      %swap3A_399 = arith.constant 0 : index
      %swap3A_400 = arith.constant 0 : index
      %swap3A_401 = vector.load %arg8[%swap3A_399, %swap3A_400] : memref<128x16xi32, #tpu.memory_space<vmem>>, vector<128x16xi32>
      tpu.vector_store %arg8[%swap3A_399, %swap3A_400], %concatenate3A_398 {strides = array<i32>} : memref<128x16xi32, #tpu.memory_space<vmem>>, vector<128x16xi32>,
    } else {
    }
    return
  }
  func.func @transform_0(%arg0: i32, %arg1: i32) -> (i32, i32) {
    %c0_i32 = arith.constant 0 : i32
    %c0_i32_0 = arith.constant 0 : i32
    return %arg0, %c0_i32 : i32, i32
  }
  func.func @transform_1(%arg0: i32, %arg1: i32) -> (i32, i32) {
    %c0_i32 = arith.constant 0 : i32
    %c0_i32_0 = arith.constant 0 : i32
    return %arg1, %c0_i32 : i32, i32
  }
  func.func @transform_2(%arg0: i32, %arg1: i32) -> (i32, i32) {
    %c0_i32 = arith.constant 0 : i32
    %c0_i32_0 = arith.constant 0 : i32
    return %c0_i32, %arg1 : i32, i32
  }
  func.func @transform_3(%arg0: i32, %arg1: i32) -> (i32, i32) {
    %c0_i32 = arith.constant 0 : i32
    %c0_i32_0 = arith.constant 0 : i32
    return %arg0, %c0_i32 : i32, i32
  }
  func.func @transform_4(%arg0: i32, %arg1: i32) -> (i32, i32) {
    %c0_i32 = arith.constant 0 : i32
    %c0_i32_0 = arith.constant 0 : i32
    return %c0_i32, %arg1 : i32, i32
  }
  func.func @transform_5(%arg0: i32, %arg1: i32) -> (i32, i32) {
    %c0_i32 = arith.constant 0 : i32
    %c0_i32_0 = arith.constant 0 : i32
    return %arg0, %c0_i32 : i32, i32
  }
  func.func @transform_6(%arg0: i32, %arg1: i32) -> (i32, i32) {
    %c0_i32 = arith.constant 0 : i32
    %c0_i32_0 = arith.constant 0 : i32
    return %arg0, %c0_i32 : i32, i32
  }
  func.func @transform_7(%arg0: i32, %arg1: i32) -> (i32, i32) {
    %c0_i32 = arith.constant 0 : i32
    %c0_i32_0 = arith.constant 0 : i32
    return %arg0, %c0_i32 : i32, i32
  }
  func.func @transform_8(%arg0: i32, %arg1: i32) -> (i32, i32) {
    %c0_i32 = arith.constant 0 : i32
    %c0_i32_0 = arith.constant 0 : i32
    return %arg0, %c0_i32 : i32, i32
  }
  func.func @transform_9(%arg0: i32, %arg1: i32) -> (i32, i32) {
    %c0_i32 = arith.constant 0 : i32
    %c0_i32_0 = arith.constant 0 : i32
    return %arg0, %c0_i32 : i32, i32
  }
  func.func @transform_10(%arg0: i32, %arg1: i32) -> (i32, i32) {
    %c0_i32 = arith.constant 0 : i32
    %c0_i32_0 = arith.constant 0 : i32
    return %arg0, %c0_i32 : i32, i32
  }
}

</mosaic_0001>

<sc_bundles>
// kernel: kernel.4.cloned.1.call-start
scs
__scs_entry_jumppad:
0x0: {  	(pc) =	sbr.rel $0x88, $3  }
0x1: {  	(tag) =	ssettag $0x0;
	lr =	simm.s32 $0x1  }
0x2: {  	[smem:$0x3F9E] =	sst lr;
	_ =	strace $0xD0000000  }
0x3: {  	_ = 	snop  }
0x4: {  	_ = 	snop  }
0x5: {  	_ = 	snop  }
0x6: {  	_ = 	snop  }
0x7: {  	_ = 	snop  }
__scs_overlays_trampoline_lowered:
0x8: {  	[smem:$0x3FAD] =	sst s0  }
0x9: {  	[smem:$0x3FAE] =	sst s1  }
0xa: {  	[smem:$0x3FAF] =	sst s2  }
0xb: {  	[smem:$0x3FB0] =	sst s3  }
0xc: {  	[smem:$0x3FB1] =	sst s4  }
0xd: {  	[smem:$0x3FB2] =	sst s5  }
0xe: {  	[smem:$0x3FB3] =	sst s6  }
0xf: {  	[smem:$0x3FB4] =	sst s7  }
0x10: {  	[smem:$0x3FB5] =	sst s8  }
0x11: {  	[smem:$0x3FB6] =	sst s9;
	s0 =	simm.s32 @!p0 $0x0  }
0x12: {  	s1 =	sld [smem:$0x3F9C];
	s0 =	simm.s32 @p0 $0x1  }
0x13: {  	[smem:$0x3FB7] =	sst s0;
	s0 =	simm.s32 @!p1 $0x0  }
0x14: {  	s2 =	sld [smem:$0x3F9B];
	s0 =	simm.s32 @p1 $0x1  }
0x15: {  	[smem:$0x3FB8] =	sst s0;
	s0 =	simm.s32 @!p2 $0x0  }
0x16: {  	s3 =	sld [smem:$0x3FDB];
	s0 =	simm.s32 @p2 $0x1  }
0x17: {  	s4 =	simm.s32 $0x1BF5;
	[smem:$0x3FBA] =	sst s0  }
0x18: {  	s0 =	sld [smem:$0x3F9D];
	_ =	swait.ge [sflag:s4], $0x0  }
0x19: {  	s7 =	sld [smem:$0x3F9E]  }
0x1a: {  	s8 =	sadd.s32 $0xFFFFE003, lr  }
0x1b: {  	s9 =	sadd.s32 $0xFFFFFEF7, lr;
	s5 =	simm.s32 $0xFFFFFFFF;
	p2 =	slt.u32 s8, $0xFFFFF086  }
0x1c: {  	p1 =	slt.u32 s9, $0xF7A;
	s5 =	simm.s32 @!p2 $0x0  }
0x1d: {  	s5 =	simm.s32 @p1 $0x1;
	p0 =	seq.s32 s7, s2  }
0x1e: {  	s7 =	smul.u32 @!p0 $0xF7A, s2;
	p2 =	seq.s32 @!p0 s5, $0x0  }
0x1f: {  	s9 =	smul.u32 $0xF7A, s1;
	s8 =	simm.s32 @!p0 $0x1BF5;
	p2 =	por !p2, p0  }
0x20: {  	[sflag:s8] =	ssyncset.s32 @!p0 $0xFFFFF086;
	s6 =	sadd.s32 @!p0 s3, s7;
	s7 =	simm.s32 @!p0 $0x108  }
0x21: {  	s3 =	sadd.s32 s3, s9;
	s6 =	sadd.s32 @!p0 $0x88, s6;
	s7 =	simm.s32 @p2 $0x1082  }
0x22: {  	[simem:s7], [sflag:s8] =	dma.local @!p0 [hbm:s6], $0xF7A  }
0x23: {  	s9 =	sor.u32 $0xD0000000, s2;
	s6 =	simm.s32 $0x108;
	_ =	swait.ge @!p0 [sflag:s8], $0x0  }
0x24: {  	s3 =	sadd.s32 $0x88, s3;
	s6 =	simm.s32 @!p1 $0x1082;
	[sflag:s4] =	ssyncset.s32 $0xFFFFF086  }
0x25: {  	[simem:s6], [sflag:s4] =	dma.local [hbm:s3], $0xF7A  }
0x26: {  	[smem:$0x3F9E] =	sst s1;
	(tag) =	ssettag s2;
	_ =	strace s9  }
0x27: {  	s1 =	sld [smem:$0x3FAE]  }
0x28: {  	s2 =	sld [smem:$0x3FAF]  }
0x29: {  	s4 =	sld [smem:$0x3FB1]  }
0x2a: {  	p0 =	seq.s32 s5, $0x0;
	s5 =	sld [smem:$0x3FB2]  }
0x2b: {  	s6 =	sld [smem:$0x3FB3]  }
0x2c: {  	s7 =	sld [smem:$0x3FB4]  }
0x2d: {  	s3 =	simm.s32 $0x108;
	s8 =	sld [smem:$0x3FB5]  }
0x2e: {  	s3 =	simm.s32 @!p0 $0x1082;
	s9 =	sld [smem:$0x3FB6]  }
0x2f: {  	lr =	sadd.s32 s0, s3;
	s0 =	sld [smem:$0x3FAD]  }
0x30: {  	s3 =	sld [smem:$0x3FB0]  }
0x31: {  	[smem:$0x3FB9] =	sst s10  }
0x32: {  	s10 =	sld [smem:$0x3FB7];
	_ =	sdelay $0x3  }
0x33: {  	p0 =	seq.s32 s10, $0x1;
	s10 =	sld [smem:$0x3FB9];
	_ =	sdelay $0x3  }
0x34: {  	[smem:$0x3FB9] =	sst s10  }
0x35: {  	s10 =	sld [smem:$0x3FB8];
	_ =	sdelay $0x3  }
0x36: {  	p1 =	seq.s32 s10, $0x1;
	s10 =	sld [smem:$0x3FB9];
	_ =	sdelay $0x3  }
0x37: {  	[smem:$0x3FB9] =	sst s10  }
0x38: {  	s10 =	sld [smem:$0x3FBA]  }
0x39: {  	_ = 	snop;
	(pc) =	sbr.ind lr, $3  }
0x3a: {  	_ = 	snop  }
0x3b: {  	_ = 	snop  }
0x3c: {  	p2 =	seq.s32 s10, $0x1;
	s10 =	sld [smem:$0x3FB9]  }
0x3d: {  	_ =	shalt  }
0x3e: {  	_ =	shalt  }
0x3f: {  	_ =	shalt  }
0x40: {  	_ =	shalt  }
0x41: {  	_ =	shalt  }
0x42: {  	_ =	shalt  }
0x43: {  	_ =	shalt  }
0x44: {  	_ =	shalt  }
0x45: {  	_ =	shalt  }
0x46: {  	_ =	shalt  }
0x47: {  	_ =	shalt  }
0x48: {  	_ =	shalt  }
0x49: {  	_ =	shalt  }
0x4a: {  	_ =	shalt  }
0x4b: {  	_ =	shalt  }
0x4c: {  	_ =	shalt  }
0x4d: {  	_ =	shalt  }
0x4e: {  	_ =	shalt  }
0x4f: {  	_ =	shalt  }
0x50: {  	_ =	shalt  }
0x51: {  	_ =	shalt  }
0x52: {  	_ =	shalt  }
0x53: {  	_ =	shalt  }
0x54: {  	_ =	shalt  }
0x55: {  	_ =	shalt  }
0x56: {  	_ =	shalt  }
0x57: {  	_ =	shalt  }
0x58: {  	_ =	shalt  }
0x59: {  	_ =	shalt  }
0x5a: {  	_ =	shalt  }
0x5b: {  	_ =	shalt  }
0x5c: {  	_ =	shalt  }
0x5d: {  	_ =	shalt  }
0x5e: {  	_ =	shalt  }
0x5f: {  	_ =	shalt  }
0x60: {  	_ =	shalt  }
0x61: {  	_ =	shalt  }
0x62: {  	_ =	shalt  }
0x63: {  	_ =	shalt  }
0x64: {  	_ =	shalt  }
0x65: {  	_ =	shalt  }
0x66: {  	_ =	shalt  }
0x67: {  	_ =	shalt  }
0x68: {  	_ =	shalt  }
0x69: {  	_ =	shalt  }
0x6a: {  	_ =	shalt  }
0x6b: {  	_ =	shalt  }
0x6c: {  	_ =	shalt  }
0x6d: {  	_ =	shalt  }
0x6e: {  	_ =	shalt  }
0x6f: {  	_ =	shalt  }
0x70: {  	_ =	shalt  }
0x71: {  	_ =	shalt  }
0x72: {  	_ =	shalt  }
0x73: {  	_ =	shalt  }
0x74: {  	_ =	shalt  }
0x75: {  	_ =	shalt  }
0x76: {  	_ =	shalt  }
0x77: {  	_ =	shalt  }
0x78: {  	_ =	shalt  }
0x79: {  	_ =	shalt  }
0x7a: {  	_ =	shalt  }
0x7b: {  	_ =	shalt  }
0x7c: {  	_ =	shalt  }
0x7d: {  	_ =	shalt  }
0x7e: {  	_ =	shalt  }
0x7f: {  	_ =	shalt  }
0x80: {  	_ =	shalt  }
0x81: {  	_ =	shalt  }
0x82: {  	_ =	shalt  }
0x83: {  	_ =	shalt  }
0x84: {  	_ =	shalt  }
0x85: {  	_ =	shalt  }
0x86: {  	_ =	shalt  }
0x87: {  	_ =	shalt  }
.Lfunc_end0:
.L_simem_size_0:
called_computation_lowered:
.L_overlay_start_0:
0x88: {  	s2 =	sld [smem:$0x3FD9]  }
0x89: {  	s3 =	sld [smem:$0x3FFE];
	_ =	sdelay $0x1  }
0x8a: {  	s1 =	srdreg.scid  }
0x8b: {  	s0 =	sand.u32 $0x1, s1  }
0x8c: {  	s17 =	sshll.u32 s0, $0xA;
	s2 =	sadd.s32 s3, s2  }
0x8d: {  	s2 =	sadd.s32 s2, s17  }
0x8e: {  	[smem:$0x3FC5] =	sst s2  }
0x8f: {  	_ = 	snop  }
0x90: {  	s2 =	sld [smem:$0x3FD0];
	(tm) =	ssettm $0x1  }
0x91: {  	s18 =	sld [smem:$0x3FFB];
	_ =	sdelay $0x3  }
0x92: {  	_ =	strace s18  }
0x93: {  	s3 =	sld [smem:$0x3FFC];
	_ =	sdelay $0x3  }
0x94: {  	_ =	strace s3  }
0x95: {  	s3 =	sld [smem:$0x3FFD];
	_ =	sdelay $0x3  }
0x96: {  	_ =	strace s3  }
0x97: {  	_ =	strace $0x8FFFFFFF  }
0x98: {  	s19 =	sld [smem:$0x3FDB];
	_ =	sdelay $0x1  }
0x99: {  	s4 =	simm.s32 $_scs_section_size  }
0x9a: {  	s5 =	simm.s32 $_size__tile_overlayer_lowered;
	s6 =	simm.s32 $_tile_overlayer_lowered  }
0x9b: {  	s22 =	simm.s32 $0x1BFF;
	s21 =	sshll.u32 s6, $0x1;
	s3 =	sadd.s32 s4, s19  }
0x9c: {  	s7 =	simm.s32 $0x0;
	s20 =	sshll.u32 s5, $0x1;
	s5 =	sadd.s32 s21, s3  }
0x9d: {  	[timem:s7], [sflag:s22] =	dma.local [hbm:s5], s20  }
0x9e: {  	_ =	swait.ge [sflag:s22], s20  }
0x9f: {  	s4 =	ssub.s32 $0x0, s20;
	[sflag:s22] =	ssyncset.done $0x0  }
0xa0: {  	[sflag:s22] =	ssyncadd.s32 s4;
	_ =	sdelay $0x1  }
0xa1: {  	s23 =	simm.s32 $0x1B8B  }
0xa2: {  	_ =	swait.ge [sflag:s23], $0x1  }
0xa3: {  	[sflag:s23] =	ssyncset.done $0x0  }
0xa4: {  	s25 =	simm.s32 $0x1B8E;
	s24 =	sld [smem:$0x3FFE];
	[sflag:s23] =	ssyncadd.s32 $0xFFFFFFFF  }
0xa5: {  	s26 =	simm.s32 $execute0_lowered;
	[smem:$0x3FD2] =	sst s25  }
0xa6: {  	s5 =	sshll.u32 s26, $0x1;
	_ =	strace $0x80000046;
	[dreg:$0x1] =	wrdreg $0xFFFFFFFF  }
0xa7: {  	s28 =	simm.s32 $_size_execute0_lowered;
	s3 =	sadd.s32 s3, s5;
	[dreg:$0x0] =	wrdreg $0x0  }
0xa8: {  	s5 =	sshll.u32 s28, $0x1;
	[dreg:$0x2] =	wrdreg s3  }
0xa9: {  	[dreg:$0x3] =	wrdreg s5  }
0xaa: {  	[dreg:$0x4] =	wrdreg $0xC0  }
0xab: {  	_ =	task [dreg:s7], $0x5FFFF  }
0xac: {  	[dreg:$0x1] =	wrdreg $0xFFFFFFFF  }
0xad: {  	[dreg:$0x0] =	wrdreg $0x60  }
0xae: {  	[dreg:$0x2] =	wrdreg s2  }
0xaf: {  	[dreg:$0x3] =	wrdreg s24  }
0xb0: {  	[dreg:$0x4] =	wrdreg $0x9  }
0xb1: {  	_ =	task.clear_ibuf [dreg:s7], $0x5FFFF;
	_ =	strace $0x90000046  }
0xb2: {  	s29 =	simm.s32 $0x9;
	_ =	strace $0x80000048  }
0xb3: {  	_ =	swait.ge [sflag:s29], $0x1  }
0xb4: {  	[sflag:s29] =	ssyncadd.s32 $0xFFFFFFFF  }
0xb5: {  	_ =	strace $0x90000048  }
0xb6: {  	_ =	sfence  }
0xb7: {  	s30 =	sld [smem:$0x0];
	_ =	sdelay $0x2  }
0xb8: {  	s31 =	sshll.u32 s1, $0xD;
	s1 =	sshrl.u32 s1, $0x2  }
0xb9: {  	s3 =	sand.u32 $0x4000, s31;
	s1 =	sadd.s32 s1, s30  }
0xba: {  	s0 =	sor.u32 s3, s0;
	s1 =	sshll.u32 s1, $0x11  }
0xbb: {  	s0 =	sor.u32 s1, s0  }
0xbc: {  	s0 =	sadd.s32 $0x8F2B, s0  }
0xbd: {  	[sflag:s0] =	ssyncadd.remote.s32 $0x1  }
0xbe: {  	_ =	sfence.sel $0xFFFF  }
0xbf: {  	[dreg:$0x0] =	wrdreg $0xFFFFFFFF;
	(pc) =	sbr.abs _section_cstart, $3  }
0xc0: {  	[dreg:$0x1] =	wrdreg $0xFFFFFFFF  }
0xc1: {  	_ =	task.clear_ibuf [dreg:s7], $0x2FFFF;
	_ =	strace $0x9FFFFFFF  }
0xc2: {  	(tm) =	ssettm $0x7FFFFFFF  }
0xc3: {  	_ =	shalt  }
tec
execute0_lowered:
.L_overlay_start_1:
0x0: {  	(tag) =	ssettag $0x1  }
0x1: {  	s1 =	srdreg.scid;
	s0 =	rddreg [dreg:$0x0];
	v29 =	vimm.s32 $0xFEDCBA98  }
0x2: {  	s2 =	stileid.u32;
	s8 =	rddreg [dreg:$0x1];
	v32 =	vimm.s32 $0x76543210;
	v33 =	vimm.s32 $0xBA98FEDC;
	s28 =	simm.s32 $0xA80  }
0x3: {  	v34 =	vimm.s32 $0x32107654;
	v35 =	vimm.s32 $0xDCFE98BA;
	s29 =	simm.s32 $0xB00;
	s7 =	sand.u32 $0x1, s1;
	s16 =	sshll.u32 s2, $0x1  }
0x4: {  	v36 =	vimm.s32 $0x54761032;
	v37 =	vimm.s32 $0xEFCDAB89;
	s30 =	simm.s32 $0xB80;
	s2 =	simm.s32 $0x0;
	s6 =	sor.u32 s7, s16  }
0x5: {  	v38 =	vimm.s32 $0x67452301;
	s31 =	simm.s32 $0xC00;
	v31 =	vunpack.c.l.s4.s8 v29;
	v32 =	vunpack.c.l.s4.s8 v32;
	[smem:$0x7FF] =	sst s2;
	s1 =	sshll.u32 s6, $0x11  }
0x6: {  	v33 =	vunpack.c.l.s4.s8 v33;
	v34 =	vunpack.c.l.s4.s8 v34;
	v35 =	vunpack.c.l.s4.s8 v35;
	s17 =	sor.u32 $0x1000, s1;
	s3 =	sor.u32 $0x2000, s1;
	s4 =	sor.u32 $0x3000, s1  }
0x7: {  	v36 =	vunpack.c.l.s4.s8 v36;
	v37 =	vunpack.c.l.s4.s8 v37;
	v38 =	vunpack.c.l.s4.s8 v38;
	s18 =	sor.u32 $0x4000, s1;
	s19 =	sor.u32 $0x5000, s1;
	s20 =	sor.u32 $0x6000, s1  }
0x8: {  	v31 =	vunpack.c.0.s8.s32 v31;
	v33 =	vunpack.c.0.s8.s32 v33;
	v34 =	vunpack.c.0.s8.s32 v34;
	s21 =	sor.u32 $0x7000, s1;
	s22 =	sor.u32 $0x8000, s1;
	s23 =	sor.u32 $0x9000, s1  }
0x9: {  	v35 =	vunpack.c.0.s8.s32 v35;
	v36 =	vunpack.c.0.s8.s32 v36;
	v32 =	vunpack.c.0.s8.s32 v32;
	s24 =	sor.u32 $0xA000, s1;
	s25 =	sor.u32 $0xB000, s1;
	s26 =	sor.u32 $0xC000, s1  }
0xa: {  	v37 =	vunpack.c.0.s8.s32 v37;
	v38 =	vunpack.c.0.s8.s32 v38;
	v0 =	vmov s1;
	s5 =	sor.u32 $0xD000, s1;
	s9 =	sor.u32 $0xE000, s1;
	s10 =	sor.u32 $0xF000, s1  }
0xb: {  	s11 =	sor.u32 $0x10000, s1;
	s12 =	sor.u32 $0x11000, s1;
	s13 =	sor.u32 $0x12000, s1;
	v59 =	vmov s17;
	v60 =	vmov s3;
	v61 =	vmov s4  }
0xc: {  	s14 =	sor.u32 $0x13000, s1;
	s15 =	sor.u32 $0x14000, s1;
	s16 =	sor.u32 $0x15000, s1;
	v4 =	vmov s18;
	v5 =	vmov s19;
	v6 =	vmov s20  }
0xd: {  	v7 =	vmov s21;
	v8 =	vmov s22;
	v13 =	vmov s5;
	s17 =	sor.u32 $0x16000, s1;
	s18 =	sor.u32 $0x17000, s1;
	s5 =	sor.u32 $0x18000, s1  }
0xe: {  	v9 =	vmov s23;
	v10 =	vmov s24;
	v11 =	vmov s25;
	s19 =	sor.u32 $0x19000, s1;
	s20 =	sor.u32 $0x1A000, s1;
	s21 =	sor.u32 $0x1B000, s1  }
0xf: {  	v12 =	vmov s26;
	v14 =	vmov s9;
	v15 =	vmov s10;
	s22 =	sor.u32 $0x1C000, s1;
	s23 =	sor.u32 $0x1D000, s1;
	s24 =	sor.u32 $0x1E000, s1  }
0x10: {  	v16 =	vmov s11;
	v17 =	vmov s12;
	v18 =	vmov s13;
	s9 =	sshll.u32 s6, $0x6;
	s3 =	sadd.s32 $0x182600, s8;
	s4 =	sadd.s32 $0x202600, s8  }
0x11: {  	v19 =	vmov s14;
	v20 =	vmov s15;
	v21 =	vmov s16;
	s11 =	sshll.u32 s6, $0x9;
	s6 =	sadd.s32 $0x81E00, s8;
	s25 =	ssub.s32 $0x2, s7  }
0x12: {  	s1 =	sor.u32 $0x1F000, s1;
	s13 =	simm.s32 $0x80;
	s14 =	simm.s32 $0x400;
	v39 =	vand.u32 $0xF, v31;
	v33 =	vcombine.low v34, v33;
	v62 =	vcombine.low v36, v35  }
0x13: {  	s16 =	simm.s32 $0x480;
	v63 =	vcombine.low v38, v37;
	v35 =	vlaneseq.u32;
	v37 =	vimm.f32 $0.0e+00;
	s15 =	simm.s32 $0x1;
	s10 =	sadd.s32 s9, s8  }
0x14: {  	[tilespmem:$0x1FFC0] =	vst v0;
	v22 =	vmov s17;
	v23 =	vmov s18;
	v24 =	vmov s5;
	s5 =	sadd.s32 $0x1E00, s8;
	s11 =	sadd.s32 s11, s8;
	s12 =	sshrl.u32 s25, $0x1  }
0x15: {  	[tilespmem:$0x1FFD0] =	vst v59;
	v25 =	vmov s19;
	v26 =	vmov s20;
	v27 =	vmov s21;
	s8 =	sadd.s32 s0, s9;
	s18 =	simm.s32 $0x500;
	s20 =	simm.s32 $0x580  }
0x16: {  	[tilespmem:$0x1FFE0] =	vst v60;
	v29 =	vmov s23;
	v30 =	vmov s24;
	v31 =	vmov s1;
	s23 =	simm.s32 $0x880;
	s24 =	simm.s32 $0x900;
	s1 =	simm.s32 $0xC80  }
0x17: {  	[tilespmem:$0x1FFF0] =	vst v61;
	v32 =	vcombine.low v39, v32;
	v38 =	vor.u32 $0x10, v35;
	v39 =	vor.u32 $0x20, v35;
	s0 =	simm.s32 $0xD00;
	s17 =	simm.s32 $0xE00;
	s19 =	simm.s32 $0x0  }
0x18: {  	v28 =	vmov s22;
	v40 =	vor.u32 $0x30, v35;
	v41 =	vor.u32 $0x40, v35;
	_ =	strace $0x80000047;
	s7 =	sadd.s32 $0x181E00, s10;
	s26 =	ssub.s32 s25, s12  }
0x19: {  	v42 =	vor.u32 $0x50, v35;
	v43 =	vor.u32 $0x60, v35;
	v44 =	vor.u32 $0x70, v35;
	s9 =	sadd.s32 $0x101E00, s11;
	s11 =	simm.s32 $0x2;
	s25 =	simm.s32 $0x980  }
0x1a: {  	v33 =	vand.u32 $0xF, v33;
	v34 =	vand.u32 $0xF, v62;
	v36 =	vand.u32 $0xF, v63;
	s12 =	simm.s32 $0xD80;
	s10 =	smax.u32 s26, $0x1;
	s26 =	simm.s32 $0xA00  }
.LBB2_1:
0x1b: {  	[tilespmem:s2], [sflag:$0x2] =	stream.linear.gather [hbm4b:s8+s2], $0x200, $0x38;
	[tilespmem:$0x1E00] =	vst v63  }
0x1c: {  	_ =	swait.ge [sflag:s11], $0x200  }
0x1d: {  	[sflag:s11] =	ssyncset.done $0x0  }
0x1e: {  	s21 =	simm.s32 $0x200;
	[sflag:s11] =	ssyncadd.s32 $0xFFFFFE00  }
0x1f: {  	[tilespmem:s21], [sflag:$0x2] =	stream.linear.gather [hbm4b:s7+s2], $0x200, $0x38;
	[tilespmem:$0x1E00] =	vst v63  }
0x20: {  	_ =	swait.ge [sflag:s11], $0x200  }
0x21: {  	v0 =	vld [tilespmem:$0x1FFC0]  }
0x22: {  	v54 =	vld [tilespmem:$0x1FFD0]  }
0x23: {  	[sflag:s11] =	ssyncset.done $0x0;
	v58 =	vld [tilespmem:$0x1FFE0]  }
0x24: {  	v62 =	vld [tilespmem:$0x1FFF0];
	[sflag:s11] =	ssyncadd.s32 $0xFFFFFE00  }
0x25: {  	v45 =	vld [tilespmem:$0x200]  }
0x26: {  	v46 =	vld [tilespmem:$0x210]  }
0x27: {  	v47 =	vld [tilespmem:$0x220]  }
0x28: {  	v48 =	vld [tilespmem:$0x230]  }
0x29: {  	v49 =	vld [tilespmem:$0x240]  }
0x2a: {  	v50 =	vld [tilespmem:$0x250];
	v45 =	vshrl.u32 v45, $0x7  }
0x2b: {  	v52 =	vld [tilespmem:$0x270];
	v46 =	vshrl.u32 v46, $0x7;
	v45 =	vand.u32 $0xFFF, v45  }
0x2c: {  	v51 =	vld [tilespmem:$0x260];
	v47 =	vshrl.u32 v47, $0x7;
	v46 =	vand.u32 $0xFFF, v46;
	v45 =	vor.u32 v0, v45  }
0x2d: {  	v57 =	vshrl.u32 v48, $0x7;
	v48 =	vld [tilespmem:$0x280];
	v56 =	vand.u32 $0xFFF, v47;
	v55 =	vor.u32 v54, v46;
	[tilespmem:$0x400] =	vst v45  }
0x2e: {  	v61 =	vshrl.u32 v49, $0x7;
	v49 =	vld [tilespmem:$0x290];
	v60 =	vand.u32 $0xFFF, v57;
	v59 =	vor.u32 v58, v56;
	[tilespmem:$0x410] =	vst v55  }
0x2f: {  	v1 =	vshrl.u32 v50, $0x7;
	v50 =	vld [tilespmem:$0x2A0];
	v63 =	vor.u32 v62, v60;
	v0 =	vand.u32 $0xFFF, v61;
	[tilespmem:$0x420] =	vst v59  }
0x30: {  	v54 =	vand.u32 $0xFFF, v1;
	v58 =	vshrl.u32 v52, $0x7;
	v52 =	vld [tilespmem:$0x2C0];
	[tilespmem:$0x430] =	vst v63;
	v2 =	vor.u32 v4, v0  }
0x31: {  	v55 =	vshrl.u32 v51, $0x7;
	v51 =	vld [tilespmem:$0x2B0];
	v56 =	vor.u32 v5, v54;
	v60 =	vand.u32 $0xFFF, v58;
	[tilespmem:$0x440] =	vst v2  }
0x32: {  	v57 =	vand.u32 $0xFFF, v55;
	[tilespmem:$0x450] =	vst v56;
	v62 =	vor.u32 v7, v60;
	v61 =	vshrl.u32 v48, $0x7;
	v48 =	vld [tilespmem:$0x2D0]  }
0x33: {  	v59 =	vor.u32 v6, v57;
	v0 =	vshrl.u32 v49, $0x7;
	v49 =	vld [tilespmem:$0x2E0];
	[tilespmem:$0x470] =	vst v62;
	v63 =	vand.u32 $0xFFF, v61  }
0x34: {  	v53 =	vshrl.u32 v50, $0x7;
	v50 =	vld [tilespmem:$0x2F0];
	[tilespmem:$0x460] =	vst v59;
	v2 =	vand.u32 $0xFFF, v0;
	v1 =	vor.u32 v8, v63  }
0x35: {  	v55 =	vand.u32 $0xFFF, v53;
	v54 =	vor.u32 v9, v2;
	v59 =	vshrl.u32 v52, $0x7;
	v52 =	vld [tilespmem:$0x310];
	[tilespmem:$0x480] =	vst v1  }
0x36: {  	v57 =	vor.u32 v10, v55;
	v56 =	vshrl.u32 v51, $0x7;
	v51 =	vld [tilespmem:$0x300];
	[tilespmem:$0x490] =	vst v54;
	v61 =	vand.u32 $0xFFF, v59  }
0x37: {  	[tilespmem:$0x4A0] =	vst v57;
	v58 =	vand.u32 $0xFFF, v56;
	v63 =	vor.u32 v12, v61;
	v62 =	vshrl.u32 v48, $0x7;
	v48 =	vld [tilespmem:$0x320]  }
0x38: {  	v60 =	vor.u32 v11, v58;
	v1 =	vshrl.u32 v49, $0x7;
	v49 =	vld [tilespmem:$0x330];
	[tilespmem:$0x4C0] =	vst v63;
	v0 =	vand.u32 $0xFFF, v62  }
0x39: {  	v54 =	vshrl.u32 v50, $0x7;
	v50 =	vld [tilespmem:$0x340];
	[tilespmem:$0x4B0] =	vst v60;
	v53 =	vand.u32 $0xFFF, v1;
	v2 =	vor.u32 v13, v0  }
0x3a: {  	v56 =	vand.u32 $0xFFF, v54;
	v55 =	vor.u32 v14, v53;
	v60 =	vshrl.u32 v52, $0x7;
	v52 =	vld [tilespmem:$0x360];
	[tilespmem:$0x4D0] =	vst v2  }
0x3b: {  	v58 =	vor.u32 v15, v56;
	v57 =	vshrl.u32 v51, $0x7;
	v51 =	vld [tilespmem:$0x350];
	[tilespmem:$0x4E0] =	vst v55;
	v62 =	vand.u32 $0xFFF, v60  }
0x3c: {  	[tilespmem:$0x4F0] =	vst v58;
	v59 =	vand.u32 $0xFFF, v57;
	v0 =	vor.u32 v17, v62;
	v63 =	vshrl.u32 v48, $0x7;
	v48 =	vld [tilespmem:$0x370]  }
0x3d: {  	v61 =	vor.u32 v16, v59;
	v2 =	vshrl.u32 v49, $0x7;
	v49 =	vld [tilespmem:$0x380];
	[tilespmem:$0x510] =	vst v0;
	v1 =	vand.u32 $0xFFF, v63  }
0x3e: {  	v55 =	vshrl.u32 v50, $0x7;
	v50 =	vld [tilespmem:$0x390];
	[tilespmem:$0x500] =	vst v61;
	v54 =	vand.u32 $0xFFF, v2;
	v53 =	vor.u32 v18, v1  }
0x3f: {  	v57 =	vand.u32 $0xFFF, v55;
	v56 =	vor.u32 v19, v54;
	v61 =	vshrl.u32 v52, $0x7;
	v52 =	vld [tilespmem:$0x3B0];
	[tilespmem:$0x520] =	vst v53  }
0x40: {  	v59 =	vor.u32 v20, v57;
	v57 =	vld [tilespmem:$0x3E0];
	v58 =	vshrl.u32 v51, $0x7;
	[tilespmem:$0x530] =	vst v56;
	v63 =	vand.u32 $0xFFF, v61  }
0x41: {  	v51 =	vld [tilespmem:$0x3A0];
	[tilespmem:$0x540] =	vst v59;
	v60 =	vand.u32 $0xFFF, v58;
	v1 =	vor.u32 v22, v63;
	v0 =	vshrl.u32 v48, $0x7  }
0x42: {  	v61 =	vld [tilespmem:$0x3F0];
	v62 =	vor.u32 v21, v60;
	v53 =	vshrl.u32 v49, $0x7;
	[tilespmem:$0x560] =	vst v1;
	v2 =	vand.u32 $0xFFF, v0  }
0x43: {  	v48 =	vld [tilespmem:$0x3C0];
	v56 =	vshrl.u32 v50, $0x7;
	[tilespmem:$0x550] =	vst v62;
	v55 =	vand.u32 $0xFFF, v53;
	v54 =	vor.u32 v23, v2  }
0x44: {  	v49 =	vld [tilespmem:$0x3D0];
	v59 =	vand.u32 $0xFFF, v56;
	v58 =	vor.u32 v24, v55;
	v0 =	vshrl.u32 v52, $0x7;
	[tilespmem:$0x570] =	vst v54  }
0x45: {  	v62 =	vor.u32 v25, v59;
	v57 =	vshrl.u32 v57, $0x7;
	[tilespmem:$0x580] =	vst v58;
	v2 =	vand.u32 $0xFFF, v0  }
0x46: {  	v60 =	vshrl.u32 v51, $0x7;
	[tilespmem:$0x590] =	vst v62;
	v59 =	vand.u32 $0xFFF, v57;
	v52 =	vor.u32 v27, v2  }
0x47: {  	v63 =	vand.u32 $0xFFF, v60;
	v60 =	vshrl.u32 v61, $0x7;
	v61 =	vor.u32 v30, v59;
	[tilespmem:$0x5B0] =	vst v52  }
0x48: {  	v1 =	vor.u32 v26, v63;
	v48 =	vshrl.u32 v48, $0x7;
	v62 =	vand.u32 $0xFFF, v60;
	[tilespmem:$0x5E0] =	vst v61  }
0x49: {  	v54 =	vshrl.u32 v49, $0x7;
	[tilespmem:$0x5A0] =	vst v1;
	v53 =	vand.u32 $0xFFF, v48;
	v63 =	vor.u32 v31, v62  }
0x4a: {  	v56 =	vand.u32 $0xFFF, v54;
	v55 =	vor.u32 v28, v53;
	[tilespmem:$0x5F0] =	vst v63  }
0x4b: {  	v58 =	vor.u32 v29, v56;
	[tilespmem:$0x5C0] =	vst v55  }
0x4c: {  	s22 =	simm.s32 $0x600;
	[tilespmem:$0x5D0] =	vst v58  }
0x4d: {  	[tilespmem:s22], [sflag:$0x1] =	stream.indirect.gather [hbm4b:s3+s13], $0x1, s14, s13, $0xb8;
	[tilespmem:$0x1E00] =	vst v63  }
0x4e: {  	s22 =	simm.s32 $0x680  }
0x4f: {  	[tilespmem:s22], [sflag:$0x1] =	stream.indirect.gather [hbm4b:s3+s13], $0x1, s16, s13, $0xb8;
	[tilespmem:$0x1E00] =	vst v63  }
0x50: {  	s22 =	simm.s32 $0x700  }
0x51: {  	[tilespmem:s22], [sflag:$0x1] =	stream.indirect.gather [hbm4b:s3+s13], $0x1, s18, s13, $0xb8;
	[tilespmem:$0x1E00] =	vst v63  }
0x52: {  	s22 =	simm.s32 $0x780  }
0x53: {  	[tilespmem:s22], [sflag:$0x1] =	stream.indirect.gather [hbm4b:s3+s13], $0x1, s20, s13, $0xb8;
	[tilespmem:$0x1E00] =	vst v63  }
0x54: {  	s22 =	simm.s32 $0x800  }
0x55: {  	[tilespmem:s22], [sflag:$0x1] =	stream.indirect.gather [hbm4b:s5+s13], $0x1, s14, s13, $0xb8;
	[tilespmem:$0x1E00] =	vst v63  }
0x56: {  	_ = 	snop  }
0x57: {  	[tilespmem:s23], [sflag:$0x1] =	stream.indirect.gather [hbm4b:s5+s13], $0x1, s16, s13, $0xb8;
	[tilespmem:$0x1E00] =	vst v63  }
0x58: {  	_ = 	snop  }
0x59: {  	[tilespmem:s24], [sflag:$0x1] =	stream.indirect.gather [hbm4b:s5+s13], $0x1, s18, s13, $0xb8;
	[tilespmem:$0x1E00] =	vst v63  }
0x5a: {  	_ = 	snop  }
0x5b: {  	[tilespmem:s25], [sflag:$0x1] =	stream.indirect.gather [hbm4b:s5+s13], $0x1, s20, s13, $0xb8;
	[tilespmem:$0x1E00] =	vst v63  }
0x5c: {  	_ = 	snop  }
0x5d: {  	[tilespmem:s26], [sflag:$0x1] =	stream.indirect.gather [hbm4b:s4+s13], $0x1, s14, s13, $0xb8;
	[tilespmem:$0x1E00] =	vst v63  }
0x5e: {  	_ = 	snop  }
0x5f: {  	[tilespmem:s28], [sflag:$0x1] =	stream.indirect.gather [hbm4b:s4+s13], $0x1, s16, s13, $0xb8;
	[tilespmem:$0x1E00] =	vst v63  }
0x60: {  	_ = 	snop  }
0x61: {  	[tilespmem:s29], [sflag:$0x1] =	stream.indirect.gather [hbm4b:s4+s13], $0x1, s18, s13, $0xb8;
	[tilespmem:$0x1E00] =	vst v63  }
0x62: {  	_ = 	snop  }
0x63: {  	[tilespmem:s30], [sflag:$0x1] =	stream.indirect.gather [hbm4b:s4+s13], $0x1, s20, s13, $0xb8;
	[tilespmem:$0x1E00] =	vst v63  }
0x64: {  	_ = 	snop  }
0x65: {  	[tilespmem:s31], [sflag:$0x1] =	stream.indirect.gather [hbm4b:s6+s13], $0x1, s14, s13, $0xb8;
	[tilespmem:$0x1E00] =	vst v63  }
0x66: {  	_ = 	snop  }
0x67: {  	[tilespmem:s1], [sflag:$0x1] =	stream.indirect.gather [hbm4b:s6+s13], $0x1, s16, s13, $0xb8;
	[tilespmem:$0x1E00] =	vst v63  }
0x68: {  	_ = 	snop  }
0x69: {  	[tilespmem:s0], [sflag:$0x1] =	stream.indirect.gather [hbm4b:s6+s13], $0x1, s18, s13, $0xb8;
	[tilespmem:$0x1E00] =	vst v63  }
0x6a: {  	_ = 	snop  }
0x6b: {  	[tilespmem:s12], [sflag:$0x1] =	stream.indirect.gather [hbm4b:s6+s13], $0x1, s20, s13, $0xb8;
	[tilespmem:$0x1E00] =	vst v63  }
0x6c: {  	_ =	swait.ge [sflag:s15], $0x80  }
0x6d: {  	[sflag:s15] =	ssyncset.done $0x0  }
0x6e: {  	[sflag:s15] =	ssyncadd.s32 $0xFFFFFF80  }
0x6f: {  	_ =	swait.ge [sflag:s15], $0x80  }
0x70: {  	[sflag:s15] =	ssyncset.done $0x0  }
0x71: {  	[sflag:s15] =	ssyncadd.s32 $0xFFFFFF80  }
0x72: {  	_ =	swait.ge [sflag:s15], $0x80  }
0x73: {  	[sflag:s15] =	ssyncset.done $0x0  }
0x74: {  	[sflag:s15] =	ssyncadd.s32 $0xFFFFFF80  }
0x75: {  	_ =	swait.ge [sflag:s15], $0x80  }
0x76: {  	[sflag:s15] =	ssyncset.done $0x0  }
0x77: {  	[sflag:s15] =	ssyncadd.s32 $0xFFFFFF80  }
0x78: {  	_ =	swait.ge [sflag:s15], $0x80  }
0x79: {  	[sflag:s15] =	ssyncset.done $0x0  }
0x7a: {  	[sflag:s15] =	ssyncadd.s32 $0xFFFFFF80  }
0x7b: {  	_ =	swait.ge [sflag:s15], $0x80  }
0x7c: {  	[sflag:s15] =	ssyncset.done $0x0  }
0x7d: {  	[sflag:s15] =	ssyncadd.s32 $0xFFFFFF80  }
0x7e: {  	_ =	swait.ge [sflag:s15], $0x80  }
0x7f: {  	[sflag:s15] =	ssyncset.done $0x0  }
0x80: {  	[sflag:s15] =	ssyncadd.s32 $0xFFFFFF80  }
0x81: {  	_ =	swait.ge [sflag:s15], $0x80  }
0x82: {  	[sflag:s15] =	ssyncset.done $0x0  }
0x83: {  	[sflag:s15] =	ssyncadd.s32 $0xFFFFFF80  }
0x84: {  	_ =	swait.ge [sflag:s15], $0x80  }
0x85: {  	[sflag:s15] =	ssyncset.done $0x0  }
0x86: {  	[sflag:s15] =	ssyncadd.s32 $0xFFFFFF80  }
0x87: {  	_ =	swait.ge [sflag:s15], $0x80  }
0x88: {  	[sflag:s15] =	ssyncset.done $0x0  }
0x89: {  	[sflag:s15] =	ssyncadd.s32 $0xFFFFFF80  }
0x8a: {  	_ =	swait.ge [sflag:s15], $0x80  }
0x8b: {  	[sflag:s15] =	ssyncset.done $0x0  }
0x8c: {  	[sflag:s15] =	ssyncadd.s32 $0xFFFFFF80  }
0x8d: {  	_ =	swait.ge [sflag:s15], $0x80  }
0x8e: {  	[sflag:s15] =	ssyncset.done $0x0  }
0x8f: {  	[sflag:s15] =	ssyncadd.s32 $0xFFFFFF80  }
0x90: {  	_ =	swait.ge [sflag:s15], $0x80  }
0x91: {  	[sflag:s15] =	ssyncset.done $0x0  }
0x92: {  	[sflag:s15] =	ssyncadd.s32 $0xFFFFFF80  }
0x93: {  	_ =	swait.ge [sflag:s15], $0x80  }
0x94: {  	[sflag:s15] =	ssyncset.done $0x0  }
0x95: {  	[sflag:s15] =	ssyncadd.s32 $0xFFFFFF80  }
0x96: {  	_ =	swait.ge [sflag:s15], $0x80  }
0x97: {  	[sflag:s15] =	ssyncset.done $0x0  }
0x98: {  	[sflag:s15] =	ssyncadd.s32 $0xFFFFFF80  }
0x99: {  	_ =	swait.ge [sflag:s15], $0x80  }
0x9a: {  	[sflag:s15] =	ssyncset.done $0x0  }
0x9b: {  	s21 =	simm.s32 $0x0;
	[sflag:s15] =	ssyncadd.s32 $0xFFFFFF80  }
.LBB2_2:
0x9c: {  	s22 =	sshll.u32 s21, $0x4  }
0x9d: {  	v48 =	vld [tilespmem:s22+$0x0]  }
0x9e: {  	v49 =	vld [tilespmem:s22+$0x600]  }
0x9f: {  	v46 =	vld [tilespmem:s22+$0x200]  }
0xa0: {  	v47 =	vld [tilespmem:s22+$0x800];
	_ =	sdelay $0x2  }
0xa1: {  	v50 =	vld [tilespmem:s22+$0xA00]  }
0xa2: {  	v45 =	vld [tilespmem:s22+$0xC00]  }
0xa3: {  	vm0 =	vlt.s32 v46, v47;
	vm1 =	veq.f32 v48, v49  }
0xa4: {  	vm2 =	vlt.f32 v48, v49;
	vm1 =	vmand vm0, vm1  }
0xa5: {  	vm1 =	vmor vm2, vm1  }
0xa6: {  	v51 =	vsel vm1, v48, v49;
	v52 =	vsel vm1, v46, v47  }
0xa7: {  	vm1 =	veq.f32 v51, v50;
	vm2 =	vlt.s32 v52, v45  }
0xa8: {  	vm3 =	vlt.f32 v51, v50;
	vm1 =	vmand vm1, vm2  }
0xa9: {  	vm1 =	vmor vm3, vm1  }
0xaa: {  	v51 =	vsel vm1, v51, v50;
	v52 =	vsel vm1, v52, v45  }
0xab: {  	v53 =	vperm.xlane v51, v32;
	v54 =	vperm.xlane v52, v32;
	_ =	sdelay $0x1  }
0xac: {  	vm1 =	veq.f32 v51, v53;
	vm2 =	vlt.s32 v52, v54  }
0xad: {  	vm3 =	vlt.f32 v51, v53;
	vm1 =	vmand vm1, vm2  }
0xae: {  	vm1 =	vmor vm3, vm1  }
0xaf: {  	v51 =	vsel vm1, v51, v53;
	v52 =	vsel vm1, v52, v54  }
0xb0: {  	v53 =	vperm.xlane v51, v33;
	v54 =	vperm.xlane v52, v33;
	_ =	sdelay $0x1  }
0xb1: {  	vm1 =	veq.f32 v51, v53;
	vm2 =	vlt.s32 v52, v54  }
0xb2: {  	vm3 =	vlt.f32 v51, v53;
	vm1 =	vmand vm1, vm2  }
0xb3: {  	vm1 =	vmor vm3, vm1  }
0xb4: {  	v51 =	vsel vm1, v51, v53;
	v52 =	vsel vm1, v52, v54  }
0xb5: {  	v53 =	vperm.xlane v51, v34;
	v54 =	vperm.xlane v52, v34;
	_ =	sdelay $0x1  }
0xb6: {  	vm1 =	veq.f32 v51, v53;
	vm2 =	vlt.s32 v52, v54  }
0xb7: {  	vm3 =	vlt.f32 v51, v53;
	vm1 =	vmand vm1, vm2  }
0xb8: {  	vm1 =	vmor vm3, vm1  }
0xb9: {  	v51 =	vsel vm1, v51, v53;
	v52 =	vsel vm1, v52, v54  }
0xba: {  	v53 =	vperm.xlane v51, v36;
	v54 =	vperm.xlane v52, v36;
	_ =	sdelay $0x1  }
0xbb: {  	vm1 =	veq.f32 v51, v53;
	vm2 =	vlt.s32 v52, v54  }
0xbc: {  	v55 =	vimm.f32 $0.0e+00;
	vm3 =	vlt.f32 v51, v53;
	vm1 =	vmand vm1, vm2  }
0xbd: {  	v53 =	vimm.f32 $0.0e+00;
	v51 =	vimm.f32 $0.0e+00;
	vm1 =	vmor vm3, vm1  }
0xbe: {  	v63 =	vsel vm1, v52, v54;
	v54 =	vimm.f32 $0.0e+00;
	v52 =	vimm.f32 $0.0e+00  }
0xbf: {  	vm1 =	veq.s32 v46, v63;
	vm2 =	veq.s32 v47, v63;
	v59 =	vand.u32 $0x7F, v63  }
0xc0: {  	vm3 =	veq.s32 v45, v63;
	v57 =	vsel vm1, $0x7F800000, v48;
	v58 =	vsel vm2, $0x7F800000, v49  }
0xc1: {  	v56 =	vsel vm3, $0x7F800000, v50;
	v48 =	vimm.f32 $0.0e+00;
	v49 =	vimm.f32 $0.0e+00  }
0xc2: {  	s22 =	simm.s32 $0xE;
	v50 =	vimm.f32 $0.0e+00;
	vm1 =	vlt.f32 v57, v58;
	vm2 =	veq.f32 v57, v58  }
.LBB2_3:
0xc3: {  	p0 =	sne.s32 s22, $0x1;
	s22 =	sadd.s32 $0xFFFFFFFF, s22;
	vm2 =	vmand vm0, vm2;
	vm3 =	veq.s32 v59, v38;
	vm4 =	veq.s32 v59, v44  }
0xc4: {  	vm1 =	vmor vm1, vm2;
	v60 =	vsel vm3, $0x3F800000, v37;
	v61 =	vsel vm4, $0x3F800000, v37  }
0xc5: {  	vm2 =	veq.s32 v59, v43;
	v62 =	vsel vm1, v57, v58;
	v63 =	vsel vm1, v46, v47  }
0xc6: {  	vm1 =	veq.s32 v59, v41;
	vm3 =	veq.f32 v62, v56;
	vm4 =	vlt.s32 v63, v45  }
0xc7: {  	vm5 =	vlt.f32 v62, v56;
	vm3 =	vmand vm3, vm4;
	vm4 =	veq.s32 v59, v40  }
0xc8: {  	v55 =	vadd.f32 v60, v55;
	vm3 =	vmor vm5, vm3;
	vm5 =	veq.s32 v59, v39  }
0xc9: {  	v60 =	vsel vm3, v62, v56;
	v62 =	vsel vm3, v63, v45;
	vm3 =	veq.s32 v59, v42  }
0xca: {  	v1 =	vsel vm2, $0x3F800000, v37;
	v63 =	vperm.xlane v60, v32;
	v0 =	vperm.xlane v62, v32  }
0xcb: {  	v54 =	vadd.f32 v61, v54;
	v3 =	vsel vm4, $0x3F800000, v37;
	v2 =	vsel vm5, $0x3F800000, v37  }
0xcc: {  	vm5 =	veq.s32 v59, v35;
	vm2 =	veq.f32 v60, v63;
	vm4 =	vlt.s32 v62, v0  }
0xcd: {  	v53 =	vadd.f32 v3, v53;
	vm6 =	vlt.f32 v60, v63;
	vm2 =	vmand vm2, vm4  }
0xce: {  	v3 =	vsel vm5, $0x3F800000, v37;
	v59 =	vsel vm3, $0x3F800000, v37;
	vm2 =	vmor vm6, vm2  }
0xcf: {  	v61 =	vsel vm1, $0x3F800000, v37;
	v60 =	vsel vm2, v60, v63;
	v0 =	vsel vm2, v62, v0  }
0xd0: {  	v51 =	vadd.f32 v61, v51;
	v62 =	vperm.xlane v60, v33;
	v63 =	vperm.xlane v0, v33  }
0xd1: {  	v48 =	vadd.f32 v2, v48;
	v52 =	vadd.f32 v59, v52  }
0xd2: {  	v49 =	vadd.f32 v1, v49;
	vm1 =	veq.f32 v60, v62;
	vm2 =	vlt.s32 v0, v63  }
0xd3: {  	v50 =	vadd.f32 v3, v50;
	vm3 =	vlt.f32 v60, v62;
	vm1 =	vmand vm1, vm2  }
0xd4: {  	vm1 =	vmor vm3, vm1  }
0xd5: {  	v1 =	vsel vm1, v60, v62;
	v0 =	vsel vm1, v0, v63  }
0xd6: {  	v2 =	vperm.xlane v1, v34;
	v3 =	vperm.xlane v0, v34;
	_ =	sdelay $0x1  }
0xd7: {  	vm1 =	vlt.f32 v1, v2;
	vm2 =	veq.f32 v1, v2;
	vm3 =	vlt.s32 v0, v3  }
0xd8: {  	vm2 =	vmand vm2, vm3  }
0xd9: {  	vm1 =	vmor vm1, vm2  }
0xda: {  	v1 =	vsel vm1, v1, v2;
	v0 =	vsel vm1, v0, v3  }
0xdb: {  	v2 =	vperm.xlane v1, v36;
	v3 =	vperm.xlane v0, v36;
	_ =	sdelay $0x1  }
0xdc: {  	vm1 =	vlt.f32 v1, v2;
	vm2 =	veq.f32 v1, v2;
	vm3 =	vlt.s32 v0, v3  }
0xdd: {  	vm2 =	vmand vm2, vm3  }
.Ltmp0:
0xde: {  	vm1 =	vmor vm1, vm2;
	(pc) =	sbr.rel @p0 .LBB2_3-.Ltmp0, $4  }
0xdf: {  	v0 =	vsel vm1, v0, v3  }
0xe0: {  	v59 =	vand.u32 $0x7F, v0;
	vm1 =	veq.s32 v46, v0;
	vm2 =	veq.s32 v47, v0  }
0xe1: {  	vm3 =	veq.s32 v45, v0;
	v57 =	vsel vm1, $0x7F800000, v57;
	v58 =	vsel vm2, $0x7F800000, v58  }
0xe2: {  	v56 =	vsel vm3, $0x7F800000, v56;
	vm1 =	vlt.f32 v57, v58;
	vm2 =	veq.f32 v57, v58  }
0xe3: {  	vm0 =	vmand vm0, vm2  }
0xe4: {  	vm0 =	vmor vm1, vm0  }
0xe5: {  	v0 =	vsel vm0, v57, v58;
	v1 =	vsel vm0, v46, v47  }
0xe6: {  	vm4 =	veq.f32 v0, v56;
	vm5 =	vlt.s32 v1, v45  }
0xe7: {  	vm6 =	vlt.f32 v0, v56;
	vm0 =	vmand vm4, vm5  }
0xe8: {  	vm0 =	vmor vm6, vm0  }
0xe9: {  	v0 =	vsel vm0, v0, v56;
	v1 =	vsel vm0, v1, v45  }
0xea: {  	v2 =	vperm.xlane v0, v32;
	v3 =	vperm.xlane v1, v32;
	_ =	sdelay $0x1  }
0xeb: {  	vm7 =	veq.f32 v0, v2;
	vm8 =	vlt.s32 v1, v3  }
0xec: {  	vm9 =	vlt.f32 v0, v2;
	vm0 =	vmand vm7, vm8  }
0xed: {  	vm0 =	vmor vm9, vm0  }
0xee: {  	v0 =	vsel vm0, v0, v2;
	v1 =	vsel vm0, v1, v3  }
0xef: {  	v2 =	vperm.xlane v0, v33;
	v3 =	vperm.xlane v1, v33;
	_ =	sdelay $0x1  }
0xf0: {  	vm10 =	veq.f32 v0, v2;
	vm11 =	vlt.s32 v1, v3  }
0xf1: {  	vm12 =	vlt.f32 v0, v2;
	vm0 =	vmand vm10, vm11  }
0xf2: {  	vm0 =	vmor vm12, vm0  }
0xf3: {  	vm13 =	veq.s32 v59, v38;
	v0 =	vsel vm0, v0, v2;
	v1 =	vsel vm0, v1, v3  }
0xf4: {  	vm14 =	veq.s32 v59, v44;
	v2 =	vperm.xlane v0, v34;
	v3 =	vperm.xlane v1, v34  }
0xf5: {  	vm15 =	veq.s32 v59, v43;
	v60 =	vsel vm14, $0x3F800000, v37;
	v58 =	vsel vm13, $0x3F800000, v37  }
0xf6: {  	v46 =	vadd.f32 v60, v54;
	vm9 =	veq.f32 v0, v2;
	vm3 =	vlt.s32 v1, v3  }
0xf7: {  	vm4 =	veq.s32 v59, v40;
	vm5 =	vlt.f32 v0, v2;
	vm2 =	vmand vm9, vm3  }
0xf8: {  	v63 =	vsel vm4, $0x3F800000, v37;
	v45 =	vadd.f32 v58, v55;
	vm2 =	vmor vm5, vm2  }
0xf9: {  	v53 =	vadd.f32 v63, v53;
	v0 =	vsel vm2, v0, v2;
	v1 =	vsel vm2, v1, v3  }
0xfa: {  	vm10 =	veq.s32 v59, v39;
	v3 =	vperm.xlane v0, v36;
	v61 =	vperm.xlane v1, v36  }
0xfb: {  	vm8 =	veq.s32 v59, v41;
	vm11 =	veq.s32 v59, v42;
	v62 =	vsel vm10, $0x3F800000, v37  }
0xfc: {  	vm12 =	veq.s32 v59, v35;
	vm13 =	veq.f32 v0, v3;
	vm14 =	vlt.s32 v1, v61  }
0xfd: {  	v2 =	vsel vm15, $0x3F800000, v37;
	vm15 =	vlt.f32 v0, v3;
	vm2 =	vmand vm13, vm14  }
0xfe: {  	v58 =	vsel vm11, $0x3F800000, v37;
	v57 =	vsel vm12, $0x3F800000, v37;
	vm7 =	vmor vm15, vm2  }
0xff: {  	v59 =	vadd.f32 v62, v48;
	v60 =	vadd.f32 v58, v52;
	v1 =	vsel vm7, v1, v61  }
0x100: {  	v2 =	vadd.f32 v2, v49;
	v3 =	vsel vm8, $0x3F800000, v37;
	v1 =	vand.u32 $0x7F, v1  }
0x101: {  	v0 =	vadd.f32 v57, v50;
	v3 =	vadd.f32 v3, v51;
	vm8 =	veq.s32 v1, v38  }
0x102: {  	vm9 =	veq.s32 v1, v44;
	vm10 =	veq.s32 v1, v35;
	vm11 =	veq.s32 v1, v43  }
0x103: {  	vm12 =	veq.s32 v1, v41;
	vm13 =	veq.s32 v1, v40;
	v62 =	vsel vm10, $0x3F800000, v37  }
0x104: {  	vm14 =	veq.s32 v1, v39;
	v61 =	vsel vm8, $0x3F800000, v37;
	v0 =	vadd.f32 v62, v0  }
0x105: {  	vm15 =	veq.s32 v1, v42;
	v63 =	vsel vm14, $0x3F800000, v37;
	v45 =	vadd.f32 v61, v45  }
0x106: {  	s22 =	sshll.u32 s21, $0x7;
	v52 =	vsel vm13, $0x3F800000, v37;
	v1 =	vadd.f32 v63, v59;
	v0 =	vmul.f32 $6.250000000e-02, v0  }
0x107: {  	s22 =	sand.u32 $0x3FFFFF80, s22;
	v54 =	vsel vm12, $0x3F800000, v37;
	v53 =	vadd.f32 v52, v53;
	v45 =	vmul.f32 $6.250000000e-02, v45  }
0x108: {  	v55 =	vsel vm15, $0x3F800000, v37;
	v3 =	vadd.f32 v54, v3;
	v56 =	vmul.f32 $6.250000000e-02, v1;
	[tilespmem:s22+$0xE00] =	vst v0  }
0x109: {  	s21 =	sadd.s32 $0x1, s21;
	v48 =	vadd.f32 v55, v60;
	v59 =	vsel vm9, $0x3F800000, v37;
	v58 =	vmul.f32 $6.250000000e-02, v53;
	[tilespmem:s22+$0xE10] =	vst v45  }
0x10a: {  	p0 =	sne.s32 s21, $0x20;
	v57 =	vsel vm11, $0x3F800000, v37;
	v61 =	vadd.f32 v59, v46;
	v60 =	vmul.f32 $6.250000000e-02, v3;
	[tilespmem:s22+$0xE20] =	vst v56  }
.Ltmp1:
0x10b: {  	v1 =	vadd.f32 v57, v2;
	v3 =	vmul.f32 $6.250000000e-02, v48;
	[tilespmem:s22+$0xE30] =	vst v58;
	(pc) =	sbr.rel @p0 .LBB2_2-.Ltmp1, $4  }
0x10c: {  	v63 =	vmul.f32 $6.250000000e-02, v61;
	[tilespmem:s22+$0xE40] =	vst v60  }
0x10d: {  	v62 =	vmul.f32 $6.250000000e-02, v1;
	[tilespmem:s22+$0xE50] =	vst v3  }
0x10e: {  	[tilespmem:s22+$0xE70] =	vst v63  }
0x10f: {  	[tilespmem:s22+$0xE60] =	vst v62  }
0x110: {  	s19 =	sadd.s32 $0x1, s19  }
0x111: {  	p0 =	sne.s32 s19, s10  }
.Ltmp2:
0x112: {  	_ = 	snop;
	(pc) =	sbr.rel @p0 .LBB2_1-.Ltmp2, $4  }
0x113: {  	[hbm4b:s9+s2] =	stream.linear.scatter [tilespmem:s17], [sflag:$0x2], $0x1000, $0x38;
	[tilespmem:$0x1E00] =	vst v63  }
0x114: {  	_ =	swait.ge [sflag:s11], $0x1000  }
0x115: {  	[sflag:s11] =	ssyncset.done $0x0  }
0x116: {  	[sflag:s11] =	ssyncadd.s32 $0xFFFFF000  }
0x117: {  	_ =	sfence.sel $0x180000  }
0x118: {  	[bflag:$0x0] =	sbarrier.arrive $0xFFFF  }
0x119: {  	_ =	strace $0x90000047  }
0x11a: {  	s0 =	stileid.u32;
	[bflag:$0x2] =	sbarrier.arrive $0xFFFF  }
0x11b: {  	p0 =	sne.s32 s0, $0x0;
	s0 =	rddreg [dreg:$0x2]  }
0x11c: {  	s0 =	sadd.s32 @!p0 $0x100000, s0  }
0x11d: {  	[sflag:s0] =	ssyncadd.tile.s32 @!p0 $0x1;
	_ =	shalt  }
.Lfunc_end2:
_tile_overlayer_lowered:
.L_overlay_start_2:
0x11e: {  	(tag) =	ssettag $0x2  }
0x11f: {  	s0 =	rddreg [dreg:$0x0];
	s2 =	stileid.u32  }
0x120: {  	s1 =	rddreg [dreg:$0x1];
	p0 =	sne.s32 s2, $0x0  }
0x121: {  	s3 =	rddreg [dreg:$0x2];
	[bflag:$0x3] =	sbarrier.arrive $0xFFFF;
	s2 =	simm.s32 @!p0 $0x1C02  }
0x122: {  	[timem:s3], [sflag:s2] =	dma.local @!p0 [hbm:s0], s1  }
0x123: {  	s0 =	simm.s32 @!p0 $0x2  }
0x124: {  	_ =	swait.ge @!p0 [sflag:s0], s1  }
0x125: {  	s1 =	ssub.s32 @!p0 $0x0, s1;
	[sflag:s0] =	ssyncset.done @!p0 $0x0  }
0x126: {  	[sflag:s0] =	ssyncadd.s32 @!p0 s1  }
0x127: {  	[bflag:$0x3] =	sbarrier.arrive $0xFFFF  }
0x128: {  	_ =	shalt  }

</sc_bundles>
